<compile_context>
chip_gen: v7x
topology: tpu7x:2x2x1
jax: 0.10.2.dev20260603
libtpu: 0.0.44.dev20260713+nightly
codegen_flags: <defaults>
</compile_context>

<pallas_src>
import functools

import jax
import jax.numpy as jnp
from jax import lax
from jax.experimental import pallas as pl
from jax.experimental.pallas import tpu as pltpu
from jax.experimental.pallas import tpu_sc as plsc

NC, NS = 2, 16
NW = NC * NS
CHUNK = 704
DEG_W = 16


def _mm_body(x_ref, w_ref, o_ref):
    o_ref[...] = jnp.dot(x_ref[...], w_ref[...],
                         preferred_element_type=jnp.float32)


def _scale_body(h_ref, d_ref, hp_ref, dinv_ref):
    deg = d_ref[0][:, :1] + d_ref[1][:, :1] + 1.0
    dinv = lax.rsqrt(deg)
    dinv_ref[...] = dinv
    hp_ref[...] = h_ref[...] * dinv


def _final_body(a_ref, hp_ref, dinv_ref, b_ref, o_ref):
    tot = a_ref[0] + a_ref[1] + hp_ref[...]
    o_ref[...] = tot * dinv_ref[...] + b_ref[...]


def _deg_body(nchunk, epw, rpt, dst_hbm, ones_hbm, zero_hbm, out_hbm,
              onesb, dstb, sem_s, degsh):
    c = lax.axis_index("c")
    s = lax.axis_index("s")
    wid = c * NS + s
    pltpu.sync_copy(zero_hbm, degsh.at[pl.ds(s * rpt, rpt)])
    pltpu.sync_copy(ones_hbm, onesb)
    plsc.subcore_barrier()
    base = wid * epw

    @pl.loop(0, nchunk)
    def _(i):
        pltpu.sync_copy(dst_hbm.at[pl.ds(base + i * CHUNK, CHUNK)], dstb)
        pltpu.async_copy(onesb, degsh.at[dstb], sem_s, add=True).wait()

    plsc.subcore_barrier()
    pltpu.sync_copy(degsh.at[pl.ds(s * rpt, rpt)],
                    out_hbm.at[c, pl.ds(s * rpt, rpt)])


def _scat_body(nchunk, epw, rpt, n, hp_hbm, src_hbm, dst_hbm, zero_hbm,
               out_hbm, srcb, dstb, rows, sem_g, sem_s, accsh, hpsh):
    c = lax.axis_index("c")
    s = lax.axis_index("s")
    wid = c * NS + s
    pltpu.sync_copy(zero_hbm, accsh.at[pl.ds(s * rpt, rpt)])
    spr = (n // (8 * NS)) * 8
    tail = n - spr * NS
    pltpu.sync_copy(hp_hbm.at[pl.ds(s * spr, spr)],
                    hpsh.at[pl.ds(s * spr, spr)])

    @pl.when(jnp.logical_and(s == 0, tail > 0))
    def _():
        pltpu.sync_copy(hp_hbm.at[pl.ds(spr * NS, tail)],
                        hpsh.at[pl.ds(spr * NS, tail)])

    plsc.subcore_barrier()
    base = wid * epw

    @pl.loop(0, nchunk)
    def _(i):
        off = base + i * CHUNK
        pltpu.sync_copy(src_hbm.at[pl.ds(off, CHUNK)], srcb)
        pltpu.sync_copy(dst_hbm.at[pl.ds(off, CHUNK)], dstb)
        pltpu.async_copy(hpsh.at[srcb], rows, sem_g).wait()
        pltpu.async_copy(rows, accsh.at[dstb], sem_s, add=True).wait()

    plsc.subcore_barrier()
    pltpu.sync_copy(accsh.at[pl.ds(s * rpt, rpt)],
                    out_hbm.at[c, pl.ds(s * rpt, rpt)])


def kernel(x, edge_index, W_mu, b_mu, W_log, b_log):
    n, k = x.shape
    lat = W_mu.shape[1]
    c2 = 2 * lat
    e = edge_index.shape[1]

    rpt = -(-(-(-(n + 1) // NS)) // 8) * 8
    np_ = rpt * NS
    nchunk = -(-e // (NW * CHUNK))
    e_pad = nchunk * NW * CHUNK
    epw = nchunk * CHUNK

    src = edge_index[0].astype(jnp.int32)
    dst = edge_index[1].astype(jnp.int32)
    pad = e_pad - e
    src_p = jnp.concatenate([src, jnp.zeros((pad,), jnp.int32)])
    dst_p = jnp.concatenate([dst, jnp.full((pad,), n, jnp.int32)])

    w_cat = jnp.concatenate([W_mu, W_log], axis=1)
    b_cat = jnp.concatenate([b_mu, b_log])[None, :]

    ones_rows = jnp.ones((CHUNK, DEG_W), jnp.float32)
    zdeg = jnp.zeros((rpt, DEG_W), jnp.float32)
    zacc = jnp.zeros((rpt, c2), jnp.float32)

    mesh = plsc.VectorSubcoreMesh(core_axis_name="c", subcore_axis_name="s")
    degp = pl.kernel(
        functools.partial(_deg_body, nchunk, epw, rpt),
        out_type=jax.ShapeDtypeStruct((NC, np_, DEG_W), jnp.float32),
        mesh=mesh,
        compiler_params=pltpu.CompilerParams(use_tc_tiling_on_sc=False),
        scratch_types=[
            pltpu.VMEM((CHUNK, DEG_W), jnp.float32),
            pltpu.VMEM((CHUNK,), jnp.int32),
            pltpu.SemaphoreType.DMA,
            pltpu.VMEM_SHARED((np_, DEG_W), jnp.float32),
        ],
    )(dst_p, ones_rows, zdeg)

    bm = 400
    h = pl.pallas_call(
        _mm_body,
        grid=(n // bm,),
        in_specs=[pl.BlockSpec((bm, k), lambda i: (i, 0)),
                  pl.BlockSpec((k, c2), lambda i: (0, 0))],
        out_specs=pl.BlockSpec((bm, c2), lambda i: (i, 0)),
        out_shape=jax.ShapeDtypeStruct((n, c2), jnp.float32),
    )(x, w_cat)

    hp, dinv = pl.pallas_call(
        _scale_body,
        grid=(n // bm,),
        in_specs=[pl.BlockSpec((bm, c2), lambda i: (i, 0)),
                  pl.BlockSpec((NC, bm, DEG_W), lambda i: (0, i, 0))],
        out_specs=[pl.BlockSpec((bm, c2), lambda i: (i, 0)),
                   pl.BlockSpec((bm, 1), lambda i: (i, 0))],
        out_shape=[jax.ShapeDtypeStruct((n, c2), jnp.float32),
                   jax.ShapeDtypeStruct((n, 1), jnp.float32)],
    )(h, degp)

    accp = pl.kernel(
        functools.partial(_scat_body, nchunk, epw, rpt, n),
        out_type=jax.ShapeDtypeStruct((NC, np_, c2), jnp.float32),
        mesh=mesh,
        compiler_params=pltpu.CompilerParams(use_tc_tiling_on_sc=False),
        scratch_types=[
            pltpu.VMEM((CHUNK,), jnp.int32),
            pltpu.VMEM((CHUNK,), jnp.int32),
            pltpu.VMEM((CHUNK, c2), jnp.float32),
            pltpu.SemaphoreType.DMA,
            pltpu.SemaphoreType.DMA,
            pltpu.VMEM_SHARED((np_, c2), jnp.float32),
            pltpu.VMEM_SHARED((n, c2), jnp.float32),
        ],
    )(hp, src_p, dst_p, zacc)

    bs = 400
    out = pl.pallas_call(
        _final_body,
        grid=(n // bs,),
        in_specs=[pl.BlockSpec((NC, bs, c2), lambda i: (0, i, 0)),
                  pl.BlockSpec((bs, c2), lambda i: (i, 0)),
                  pl.BlockSpec((bs, 1), lambda i: (i, 0)),
                  pl.BlockSpec((1, c2), lambda i: (0, 0))],
        out_specs=pl.BlockSpec((bs, c2), lambda i: (i, 0)),
        out_shape=jax.ShapeDtypeStruct((n, c2), jnp.float32),
    )(accp, hp, dinv, b_cat)

    return out[:, :lat], out[:, lat:]

# --- scband reference (transcript-rebuilt; emitter-appended) ---
"""Pipeline reference for scband-encoder-65506841198808 (READ-ONLY COPY).

The authoritative reference and input builder live on the scoring server;
editing this copy changes nothing except your own understanding.
"""

import jax, jax.numpy as jnp
import numpy as np

N = 10000
E = 640000
LATENT = 32


def gcn_conv(x, edge_index, W, b):
    # GCNConv with add_self_loops=True, normalize=True (PyG defaults)
    src = edge_index[0]
    dst = edge_index[1]
    loop = jnp.arange(N, dtype=src.dtype)
    src = jnp.concatenate([src, loop])
    dst = jnp.concatenate([dst, loop])
    # symmetric normalization: deg computed on dst (col) with self loops
    deg = jnp.zeros((N,), x.dtype).at[dst].add(jnp.ones_like(dst, dtype=x.dtype))
    dinv = jnp.where(deg > 0, jax.lax.rsqrt(deg), 0.0)
    norm = dinv[src] * dinv[dst]
    h = x @ W  # linear transform first (in_channels -> LATENT)
    msg = h[src] * norm[:, None]
    out = jnp.zeros((N, LATENT), x.dtype).at[dst].add(msg)
    return out + b


def setup_inputs(seed: int = 0) -> dict:
    key = jax.random.key(seed)
    k1, k2, k3, k4, k5, k6 = jax.random.split(key, 6)
    x = jax.random.normal(k1, (N, N), dtype=jnp.float32)
    edge_index = jax.random.randint(k2, (2, E), 0, N, dtype=jnp.int64)
    s = 1.0 / np.sqrt(N)
    W_mu = jax.random.normal(k3, (N, LATENT), dtype=jnp.float32) * s
    b_mu = jnp.zeros((LATENT,), dtype=jnp.float32)
    W_log = jax.random.normal(k4, (N, LATENT), dtype=jnp.float32) * s
    b_log = jnp.zeros((LATENT,), dtype=jnp.float32)
    return {"x": x, "edge_index": edge_index, "W_mu": W_mu, "b_mu": b_mu, "W_log": W_log, "b_log": b_log}


def reference(x, edge_index, W_mu, b_mu, W_log, b_log):
    mu = gcn_conv(x, edge_index, W_mu, b_mu)
    logvar = gcn_conv(x, edge_index, W_log, b_log)
    return (mu, logvar)

if __name__ == "__main__":
    import jax
    _d = setup_inputs()
    print(jax.jit(kernel)(*tuple(_d.values())))

</pallas_src>

<mosaic_0001>
#map = affine_map<(d0, d1) -> (0)>
#map1 = affine_map<(d0, d1) -> (0, 0)>
#map2 = affine_map<(d0, d1) -> (0, 0, 0)>
module attributes {stable_mosaic.version = 14 : i64} {
  func.func @_deg_body(%arg0: i32, %arg1: i32, %arg2: memref<653312xi32, #tpu.memory_space<hbm>>, %arg3: memref<704x16xf32, #tpu.memory_space<hbm>>, %arg4: memref<632x16xf32, #tpu.memory_space<hbm>>, %arg5: memref<2x10112x16xf32, #tpu.memory_space<hbm>>, %arg6: memref<704x16xf32, #tpu.memory_space<vmem>>, %arg7: memref<704xi32, #tpu.memory_space<vmem>>, %arg8: memref<!tpu.dma_semaphore, #tpu.memory_space<semaphore_mem>>, %arg9: memref<10112x16xf32, #tpu.memory_space<vmem_shared>>) attributes {dimension_semantics = [#tpu.dimension_semantics<core_parallel>, #tpu.dimension_semantics<subcore_parallel>], iteration_bounds = array<i64: 2, 16>, scalar_prefetch = 0 : i64, scratch_operands = 4 : i64, tpu.core_type = #tpu.core_type<sc_vector_subcore>, window_params = [{transform_indices = #map}, {transform_indices = #map1}, {transform_indices = #map1}, {transform_indices = #map2}]} {
    %mul3A = arith.constant 16 : i32
    %mul3A_0 = arith.muli %arg0, %mul3A : i32
    %add3A = arith.addi %mul3A_0, %arg1 : i32
    %mul3A_1 = arith.constant 632 : i32
    %mul3A_2 = arith.muli %arg1, %mul3A_1 : i32
    "tpu.region"() ({
      %run_scoped3A = tpu.sem_alloc : memref<!tpu.dma_semaphore, #tpu.memory_space<semaphore_mem>>
      %dma_start3A = arith.constant 0 : i32
      %dma_start3A_14 = tpu.memref_slice %arg9[%mul3A_2, %dma_start3A] : memref<10112x16xf32, #tpu.memory_space<vmem_shared>> -> memref<632x16xf32, #tpu.memory_space<vmem_shared>>
      tpu.enqueue_dma source(%arg4 : memref<632x16xf32, #tpu.memory_space<hbm>>) target(%dma_start3A_14 : memref<632x16xf32, #tpu.memory_space<vmem_shared>>) target_semaphore(%run_scoped3A : memref<!tpu.dma_semaphore, #tpu.memory_space<semaphore_mem>>)
      %dma_wait3A = arith.constant 0 : i32
      %dma_wait3A_15 = tpu.memref_slice %arg9[%mul3A_2, %dma_wait3A] : memref<10112x16xf32, #tpu.memory_space<vmem_shared>> -> memref<632x16xf32, #tpu.memory_space<vmem_shared>>
      tpu.wait_dma2 semaphore(%run_scoped3A : memref<!tpu.dma_semaphore, #tpu.memory_space<semaphore_mem>>) src(%arg4 : memref<632x16xf32, #tpu.memory_space<hbm>>) dst(%dma_wait3A_15 : memref<632x16xf32, #tpu.memory_space<vmem_shared>>)
      tpu.yield
    }) : () -> ()
    "tpu.region"() ({
      %run_scoped3A = tpu.sem_alloc : memref<!tpu.dma_semaphore, #tpu.memory_space<semaphore_mem>>
      tpu.enqueue_dma source(%arg3 : memref<704x16xf32, #tpu.memory_space<hbm>>) target(%arg6 : memref<704x16xf32, #tpu.memory_space<vmem>>) target_semaphore(%run_scoped3A : memref<!tpu.dma_semaphore, #tpu.memory_space<semaphore_mem>>)
      tpu.wait_dma2 semaphore(%run_scoped3A : memref<!tpu.dma_semaphore, #tpu.memory_space<semaphore_mem>>) src(%arg3 : memref<704x16xf32, #tpu.memory_space<hbm>>) dst(%arg6 : memref<704x16xf32, #tpu.memory_space<vmem>>)
      tpu.yield
    }) : () -> ()
    %barrier3A = arith.constant 0 : index
    tpu.barrier barrier_id(%barrier3A)
    %mul3A_3 = arith.constant 20416 : i32
    %mul3A_4 = arith.muli %add3A, %mul3A_3 : i32
    %scan3A = arith.constant 0 : i32
    %scan3A_5 = arith.constant 29 : i32
    %scan3A_6 = arith.addi %scan3A, %scan3A_5 : i32
    %scan3A_7 = arith.constant 1 : i32
    scf.for %scan3A_14 = %scan3A to %scan3A_6 step %scan3A_7  : i32 {
      %mul3A_15 = arith.constant 1 : i32
      %mul3A_16 = arith.muli %scan3A_14, %mul3A_15 : i32
      %add3A_17 = arith.constant 0 : i32
      %add3A_18 = arith.addi %add3A_17, %mul3A_16 : i32
      %mul3A_19 = arith.constant 704 : i32
      %mul3A_20 = arith.muli %add3A_18, %mul3A_19 : i32
      %add3A_21 = arith.addi %mul3A_4, %mul3A_20 : i32
      "tpu.region"() ({
        %run_scoped3A = tpu.sem_alloc : memref<!tpu.dma_semaphore, #tpu.memory_space<semaphore_mem>>
        %dma_start3A_26 = tpu.memref_slice %arg2[%add3A_21] : memref<653312xi32, #tpu.memory_space<hbm>> -> memref<704xi32, #tpu.memory_space<hbm>>
        %dma_start3A_27 = tpu.memref_slice %arg2[%add3A_21] : memref<653312xi32, #tpu.memory_space<hbm>> -> memref<704xi32, #tpu.memory_space<hbm>>
        tpu.enqueue_dma source(%dma_start3A_27 : memref<704xi32, #tpu.memory_space<hbm>>) target(%arg7 : memref<704xi32, #tpu.memory_space<vmem>>) target_semaphore(%run_scoped3A : memref<!tpu.dma_semaphore, #tpu.memory_space<semaphore_mem>>)
        %dma_wait3A_28 = tpu.memref_slice %arg2[%add3A_21] : memref<653312xi32, #tpu.memory_space<hbm>> -> memref<704xi32, #tpu.memory_space<hbm>>
        %dma_wait3A_29 = tpu.memref_slice %arg2[%add3A_21] : memref<653312xi32, #tpu.memory_space<hbm>> -> memref<704xi32, #tpu.memory_space<hbm>>
        tpu.wait_dma2 semaphore(%run_scoped3A : memref<!tpu.dma_semaphore, #tpu.memory_space<semaphore_mem>>) src(%dma_wait3A_29 : memref<704xi32, #tpu.memory_space<hbm>>) dst(%arg7 : memref<704xi32, #tpu.memory_space<vmem>>)
        tpu.yield
      }) : () -> ()
      %dma_start3A = arith.constant 0 : i32
      %dma_start3A_22 = arith.constant 0 : i32
      %dma_start3A_23 = tpu.memref_slice %arg9[%dma_start3A, %dma_start3A_22] : memref<10112x16xf32, #tpu.memory_space<vmem_shared>> -> memref<10112x16xf32, #tpu.memory_space<vmem_shared>>
      tpu.enqueue_indirect_dma source(%arg6 : memref<704x16xf32, #tpu.memory_space<vmem>>) target(%dma_start3A_23 : memref<10112x16xf32, #tpu.memory_space<vmem_shared>>) offsets(%arg7 : memref<704xi32, #tpu.memory_space<vmem>>) semaphore(%arg8 : memref<!tpu.dma_semaphore, #tpu.memory_space<semaphore_mem>>) {add = true}
      %dma_wait3A = arith.constant 0 : i32
      %dma_wait3A_24 = arith.constant 0 : i32
      %dma_wait3A_25 = tpu.memref_slice %arg9[%dma_wait3A, %dma_wait3A_24] : memref<10112x16xf32, #tpu.memory_space<vmem_shared>> -> memref<10112x16xf32, #tpu.memory_space<vmem_shared>>
      tpu.wait_indirect_dma semaphore(%arg8 : memref<!tpu.dma_semaphore, #tpu.memory_space<semaphore_mem>>) src(%arg6 : memref<704x16xf32, #tpu.memory_space<vmem>>) dst(%dma_wait3A_25 : memref<10112x16xf32, #tpu.memory_space<vmem_shared>>)
    }
    %scan3A_8 = arith.constant 29 : i32
    %barrier3A_9 = arith.constant 0 : index
    tpu.barrier barrier_id(%barrier3A_9)
    %mul3A_10 = arith.constant 632 : i32
    %mul3A_11 = arith.muli %arg1, %mul3A_10 : i32
    %mul3A_12 = arith.constant 632 : i32
    %mul3A_13 = arith.muli %arg1, %mul3A_12 : i32
    "tpu.region"() ({
      %run_scoped3A = tpu.sem_alloc : memref<!tpu.dma_semaphore, #tpu.memory_space<semaphore_mem>>
      %dma_start3A = arith.constant 0 : i32
      %dma_start3A_14 = tpu.memref_slice %arg5[%arg0, %mul3A_13, %dma_start3A] : memref<2x10112x16xf32, #tpu.memory_space<hbm>> -> memref<1x632x16xf32, #tpu.memory_space<hbm>>
      %dma_start3A_15 = tpu.memref_squeeze %dma_start3A_14 : memref<1x632x16xf32, #tpu.memory_space<hbm>> -> memref<632x16xf32, #tpu.memory_space<hbm>>
      %dma_start3A_16 = arith.constant 0 : i32
      %dma_start3A_17 = tpu.memref_slice %arg9[%mul3A_11, %dma_start3A_16] : memref<10112x16xf32, #tpu.memory_space<vmem_shared>> -> memref<632x16xf32, #tpu.memory_space<vmem_shared>>
      tpu.enqueue_dma source(%dma_start3A_17 : memref<632x16xf32, #tpu.memory_space<vmem_shared>>) target(%dma_start3A_15 : memref<632x16xf32, #tpu.memory_space<hbm>>) target_semaphore(%run_scoped3A : memref<!tpu.dma_semaphore, #tpu.memory_space<semaphore_mem>>)
      %dma_wait3A = arith.constant 0 : i32
      %dma_wait3A_18 = tpu.memref_slice %arg5[%arg0, %mul3A_13, %dma_wait3A] : memref<2x10112x16xf32, #tpu.memory_space<hbm>> -> memref<1x632x16xf32, #tpu.memory_space<hbm>>
      %dma_wait3A_19 = tpu.memref_squeeze %dma_wait3A_18 : memref<1x632x16xf32, #tpu.memory_space<hbm>> -> memref<632x16xf32, #tpu.memory_space<hbm>>
      %dma_wait3A_20 = arith.constant 0 : i32
      %dma_wait3A_21 = tpu.memref_slice %arg9[%mul3A_11, %dma_wait3A_20] : memref<10112x16xf32, #tpu.memory_space<vmem_shared>> -> memref<632x16xf32, #tpu.memory_space<vmem_shared>>
      tpu.wait_dma2 semaphore(%run_scoped3A : memref<!tpu.dma_semaphore, #tpu.memory_space<semaphore_mem>>) src(%dma_wait3A_21 : memref<632x16xf32, #tpu.memory_space<vmem_shared>>) dst(%dma_wait3A_19 : memref<632x16xf32, #tpu.memory_space<hbm>>)
      tpu.yield
    }) : () -> ()
    return
  }
}

#map = affine_map<(d0, d1) -> (0, 0)>
#map1 = affine_map<(d0, d1) -> (0)>
#map2 = affine_map<(d0, d1) -> (0, 0, 0)>
module attributes {stable_mosaic.version = 14 : i64} {
  func.func @_scat_body(%arg0: i32, %arg1: i32, %arg2: memref<10000x64xf32, #tpu.memory_space<hbm>>, %arg3: memref<653312xi32, #tpu.memory_space<hbm>>, %arg4: memref<653312xi32, #tpu.memory_space<hbm>>, %arg5: memref<632x64xf32, #tpu.memory_space<hbm>>, %arg6: memref<2x10112x64xf32, #tpu.memory_space<hbm>>, %arg7: memref<704xi32, #tpu.memory_space<vmem>>, %arg8: memref<704xi32, #tpu.memory_space<vmem>>, %arg9: memref<704x64xf32, #tpu.memory_space<vmem>>, %arg10: memref<!tpu.dma_semaphore, #tpu.memory_space<semaphore_mem>>, %arg11: memref<!tpu.dma_semaphore, #tpu.memory_space<semaphore_mem>>, %arg12: memref<10112x64xf32, #tpu.memory_space<vmem_shared>>, %arg13: memref<10000x64xf32, #tpu.memory_space<vmem_shared>>) attributes {dimension_semantics = [#tpu.dimension_semantics<core_parallel>, #tpu.dimension_semantics<subcore_parallel>], iteration_bounds = array<i64: 2, 16>, scalar_prefetch = 0 : i64, scratch_operands = 7 : i64, tpu.core_type = #tpu.core_type<sc_vector_subcore>, window_params = [{transform_indices = #map}, {transform_indices = #map1}, {transform_indices = #map1}, {transform_indices = #map}, {transform_indices = #map2}]} {
    %mul3A = arith.constant 16 : i32
    %mul3A_0 = arith.muli %arg0, %mul3A : i32
    %add3A = arith.addi %mul3A_0, %arg1 : i32
    %mul3A_1 = arith.constant 632 : i32
    %mul3A_2 = arith.muli %arg1, %mul3A_1 : i32
    "tpu.region"() ({
      %run_scoped3A = tpu.sem_alloc : memref<!tpu.dma_semaphore, #tpu.memory_space<semaphore_mem>>
      %dma_start3A = arith.constant 0 : i32
      %dma_start3A_21 = tpu.memref_slice %arg12[%mul3A_2, %dma_start3A] : memref<10112x64xf32, #tpu.memory_space<vmem_shared>> -> memref<632x64xf32, #tpu.memory_space<vmem_shared>>
      tpu.enqueue_dma source(%arg5 : memref<632x64xf32, #tpu.memory_space<hbm>>) target(%dma_start3A_21 : memref<632x64xf32, #tpu.memory_space<vmem_shared>>) target_semaphore(%run_scoped3A : memref<!tpu.dma_semaphore, #tpu.memory_space<semaphore_mem>>)
      %dma_wait3A = arith.constant 0 : i32
      %dma_wait3A_22 = tpu.memref_slice %arg12[%mul3A_2, %dma_wait3A] : memref<10112x64xf32, #tpu.memory_space<vmem_shared>> -> memref<632x64xf32, #tpu.memory_space<vmem_shared>>
      tpu.wait_dma2 semaphore(%run_scoped3A : memref<!tpu.dma_semaphore, #tpu.memory_space<semaphore_mem>>) src(%arg5 : memref<632x64xf32, #tpu.memory_space<hbm>>) dst(%dma_wait3A_22 : memref<632x64xf32, #tpu.memory_space<vmem_shared>>)
      tpu.yield
    }) : () -> ()
    %mul3A_3 = arith.constant 624 : i32
    %mul3A_4 = arith.muli %arg1, %mul3A_3 : i32
    %mul3A_5 = arith.constant 624 : i32
    %mul3A_6 = arith.muli %arg1, %mul3A_5 : i32
    "tpu.region"() ({
      %run_scoped3A = tpu.sem_alloc : memref<!tpu.dma_semaphore, #tpu.memory_space<semaphore_mem>>
      %dma_start3A = arith.constant 0 : i32
      %dma_start3A_21 = tpu.memref_slice %arg13[%mul3A_6, %dma_start3A] : memref<10000x64xf32, #tpu.memory_space<vmem_shared>> -> memref<624x64xf32, #tpu.memory_space<vmem_shared>>
      %dma_start3A_22 = arith.constant 0 : i32
      %dma_start3A_23 = tpu.memref_slice %arg2[%mul3A_4, %dma_start3A_22] : memref<10000x64xf32, #tpu.memory_space<hbm>> -> memref<624x64xf32, #tpu.memory_space<hbm>>
      tpu.enqueue_dma source(%dma_start3A_23 : memref<624x64xf32, #tpu.memory_space<hbm>>) target(%dma_start3A_21 : memref<624x64xf32, #tpu.memory_space<vmem_shared>>) target_semaphore(%run_scoped3A : memref<!tpu.dma_semaphore, #tpu.memory_space<semaphore_mem>>)
      %dma_wait3A = arith.constant 0 : i32
      %dma_wait3A_24 = tpu.memref_slice %arg13[%mul3A_6, %dma_wait3A] : memref<10000x64xf32, #tpu.memory_space<vmem_shared>> -> memref<624x64xf32, #tpu.memory_space<vmem_shared>>
      %dma_wait3A_25 = arith.constant 0 : i32
      %dma_wait3A_26 = tpu.memref_slice %arg2[%mul3A_4, %dma_wait3A_25] : memref<10000x64xf32, #tpu.memory_space<hbm>> -> memref<624x64xf32, #tpu.memory_space<hbm>>
      tpu.wait_dma2 semaphore(%run_scoped3A : memref<!tpu.dma_semaphore, #tpu.memory_space<semaphore_mem>>) src(%dma_wait3A_26 : memref<624x64xf32, #tpu.memory_space<hbm>>) dst(%dma_wait3A_24 : memref<624x64xf32, #tpu.memory_space<vmem_shared>>)
      tpu.yield
    }) : () -> ()
    %eq3A = arith.constant 0 : i32
    %eq3A_7 = arith.cmpi eq, %arg1, %eq3A : i32
    %and3A = arith.constant true
    %and3A_8 = arith.andi %eq3A_7, %and3A : i1
    %convert_element_type3A = arith.extui %and3A_8 : i1 to i32
    %cond3A = arith.constant 0 : i32
    %cond3A_9 = arith.cmpi ne, %convert_element_type3A, %cond3A : i32
    scf.if %cond3A_9 {
      "tpu.region"() ({
        %run_scoped3A = tpu.sem_alloc : memref<!tpu.dma_semaphore, #tpu.memory_space<semaphore_mem>>
        %dma_start3A = arith.constant 9984 : i32
        %dma_start3A_21 = arith.constant 0 : i32
        %dma_start3A_22 = tpu.memref_slice %arg13[%dma_start3A, %dma_start3A_21] : memref<10000x64xf32, #tpu.memory_space<vmem_shared>> -> memref<16x64xf32, #tpu.memory_space<vmem_shared>>
        %dma_start3A_23 = arith.constant 9984 : i32
        %dma_start3A_24 = arith.constant 0 : i32
        %dma_start3A_25 = tpu.memref_slice %arg2[%dma_start3A_23, %dma_start3A_24] : memref<10000x64xf32, #tpu.memory_space<hbm>> -> memref<16x64xf32, #tpu.memory_space<hbm>>
        tpu.enqueue_dma source(%dma_start3A_25 : memref<16x64xf32, #tpu.memory_space<hbm>>) target(%dma_start3A_22 : memref<16x64xf32, #tpu.memory_space<vmem_shared>>) target_semaphore(%run_scoped3A : memref<!tpu.dma_semaphore, #tpu.memory_space<semaphore_mem>>)
        %dma_wait3A = arith.constant 9984 : i32
        %dma_wait3A_26 = arith.constant 0 : i32
        %dma_wait3A_27 = tpu.memref_slice %arg13[%dma_wait3A, %dma_wait3A_26] : memref<10000x64xf32, #tpu.memory_space<vmem_shared>> -> memref<16x64xf32, #tpu.memory_space<vmem_shared>>
        %dma_wait3A_28 = arith.constant 9984 : i32
        %dma_wait3A_29 = arith.constant 0 : i32
        %dma_wait3A_30 = tpu.memref_slice %arg2[%dma_wait3A_28, %dma_wait3A_29] : memref<10000x64xf32, #tpu.memory_space<hbm>> -> memref<16x64xf32, #tpu.memory_space<hbm>>
        tpu.wait_dma2 semaphore(%run_scoped3A : memref<!tpu.dma_semaphore, #tpu.memory_space<semaphore_mem>>) src(%dma_wait3A_30 : memref<16x64xf32, #tpu.memory_space<hbm>>) dst(%dma_wait3A_27 : memref<16x64xf32, #tpu.memory_space<vmem_shared>>)
        tpu.yield
      }) : () -> ()
    } else {
    }
    %barrier3A = arith.constant 0 : index
    tpu.barrier barrier_id(%barrier3A)
    %mul3A_10 = arith.constant 20416 : i32
    %mul3A_11 = arith.muli %add3A, %mul3A_10 : i32
    %scan3A = arith.constant 0 : i32
    %scan3A_12 = arith.constant 29 : i32
    %scan3A_13 = arith.addi %scan3A, %scan3A_12 : i32
    %scan3A_14 = arith.constant 1 : i32
    scf.for %scan3A_21 = %scan3A to %scan3A_13 step %scan3A_14  : i32 {
      %mul3A_22 = arith.constant 1 : i32
      %mul3A_23 = arith.muli %scan3A_21, %mul3A_22 : i32
      %add3A_24 = arith.constant 0 : i32
      %add3A_25 = arith.addi %add3A_24, %mul3A_23 : i32
      %mul3A_26 = arith.constant 704 : i32
      %mul3A_27 = arith.muli %add3A_25, %mul3A_26 : i32
      %add3A_28 = arith.addi %mul3A_11, %mul3A_27 : i32
      "tpu.region"() ({
        %run_scoped3A = tpu.sem_alloc : memref<!tpu.dma_semaphore, #tpu.memory_space<semaphore_mem>>
        %dma_start3A_39 = tpu.memref_slice %arg3[%add3A_28] : memref<653312xi32, #tpu.memory_space<hbm>> -> memref<704xi32, #tpu.memory_space<hbm>>
        %dma_start3A_40 = tpu.memref_slice %arg3[%add3A_28] : memref<653312xi32, #tpu.memory_space<hbm>> -> memref<704xi32, #tpu.memory_space<hbm>>
        tpu.enqueue_dma source(%dma_start3A_40 : memref<704xi32, #tpu.memory_space<hbm>>) target(%arg7 : memref<704xi32, #tpu.memory_space<vmem>>) target_semaphore(%run_scoped3A : memref<!tpu.dma_semaphore, #tpu.memory_space<semaphore_mem>>)
        %dma_wait3A_41 = tpu.memref_slice %arg3[%add3A_28] : memref<653312xi32, #tpu.memory_space<hbm>> -> memref<704xi32, #tpu.memory_space<hbm>>
        %dma_wait3A_42 = tpu.memref_slice %arg3[%add3A_28] : memref<653312xi32, #tpu.memory_space<hbm>> -> memref<704xi32, #tpu.memory_space<hbm>>
        tpu.wait_dma2 semaphore(%run_scoped3A : memref<!tpu.dma_semaphore, #tpu.memory_space<semaphore_mem>>) src(%dma_wait3A_42 : memref<704xi32, #tpu.memory_space<hbm>>) dst(%arg7 : memref<704xi32, #tpu.memory_space<vmem>>)
        tpu.yield
      }) : () -> ()
      "tpu.region"() ({
        %run_scoped3A = tpu.sem_alloc : memref<!tpu.dma_semaphore, #tpu.memory_space<semaphore_mem>>
        %dma_start3A_39 = tpu.memref_slice %arg4[%add3A_28] : memref<653312xi32, #tpu.memory_space<hbm>> -> memref<704xi32, #tpu.memory_space<hbm>>
        %dma_start3A_40 = tpu.memref_slice %arg4[%add3A_28] : memref<653312xi32, #tpu.memory_space<hbm>> -> memref<704xi32, #tpu.memory_space<hbm>>
        tpu.enqueue_dma source(%dma_start3A_40 : memref<704xi32, #tpu.memory_space<hbm>>) target(%arg8 : memref<704xi32, #tpu.memory_space<vmem>>) target_semaphore(%run_scoped3A : memref<!tpu.dma_semaphore, #tpu.memory_space<semaphore_mem>>)
        %dma_wait3A_41 = tpu.memref_slice %arg4[%add3A_28] : memref<653312xi32, #tpu.memory_space<hbm>> -> memref<704xi32, #tpu.memory_space<hbm>>
        %dma_wait3A_42 = tpu.memref_slice %arg4[%add3A_28] : memref<653312xi32, #tpu.memory_space<hbm>> -> memref<704xi32, #tpu.memory_space<hbm>>
        tpu.wait_dma2 semaphore(%run_scoped3A : memref<!tpu.dma_semaphore, #tpu.memory_space<semaphore_mem>>) src(%dma_wait3A_42 : memref<704xi32, #tpu.memory_space<hbm>>) dst(%arg8 : memref<704xi32, #tpu.memory_space<vmem>>)
        tpu.yield
      }) : () -> ()
      %dma_start3A = arith.constant 0 : i32
      %dma_start3A_29 = arith.constant 0 : i32
      %dma_start3A_30 = tpu.memref_slice %arg13[%dma_start3A, %dma_start3A_29] : memref<10000x64xf32, #tpu.memory_space<vmem_shared>> -> memref<10000x64xf32, #tpu.memory_space<vmem_shared>>
      tpu.enqueue_indirect_dma source(%dma_start3A_30 : memref<10000x64xf32, #tpu.memory_space<vmem_shared>>) target(%arg9 : memref<704x64xf32, #tpu.memory_space<vmem>>) offsets(%arg7 : memref<704xi32, #tpu.memory_space<vmem>>) semaphore(%arg10 : memref<!tpu.dma_semaphore, #tpu.memory_space<semaphore_mem>>)
      %dma_wait3A = arith.constant 0 : i32
      %dma_wait3A_31 = arith.constant 0 : i32
      %dma_wait3A_32 = tpu.memref_slice %arg13[%dma_wait3A, %dma_wait3A_31] : memref<10000x64xf32, #tpu.memory_space<vmem_shared>> -> memref<10000x64xf32, #tpu.memory_space<vmem_shared>>
      tpu.wait_indirect_dma semaphore(%arg10 : memref<!tpu.dma_semaphore, #tpu.memory_space<semaphore_mem>>) src(%dma_wait3A_32 : memref<10000x64xf32, #tpu.memory_space<vmem_shared>>) dst(%arg9 : memref<704x64xf32, #tpu.memory_space<vmem>>)
      %dma_start3A_33 = arith.constant 0 : i32
      %dma_start3A_34 = arith.constant 0 : i32
      %dma_start3A_35 = tpu.memref_slice %arg12[%dma_start3A_33, %dma_start3A_34] : memref<10112x64xf32, #tpu.memory_space<vmem_shared>> -> memref<10112x64xf32, #tpu.memory_space<vmem_shared>>
      tpu.enqueue_indirect_dma source(%arg9 : memref<704x64xf32, #tpu.memory_space<vmem>>) target(%dma_start3A_35 : memref<10112x64xf32, #tpu.memory_space<vmem_shared>>) offsets(%arg8 : memref<704xi32, #tpu.memory_space<vmem>>) semaphore(%arg11 : memref<!tpu.dma_semaphore, #tpu.memory_space<semaphore_mem>>) {add = true}
      %dma_wait3A_36 = arith.constant 0 : i32
      %dma_wait3A_37 = arith.constant 0 : i32
      %dma_wait3A_38 = tpu.memref_slice %arg12[%dma_wait3A_36, %dma_wait3A_37] : memref<10112x64xf32, #tpu.memory_space<vmem_shared>> -> memref<10112x64xf32, #tpu.memory_space<vmem_shared>>
      tpu.wait_indirect_dma semaphore(%arg11 : memref<!tpu.dma_semaphore, #tpu.memory_space<semaphore_mem>>) src(%arg9 : memref<704x64xf32, #tpu.memory_space<vmem>>) dst(%dma_wait3A_38 : memref<10112x64xf32, #tpu.memory_space<vmem_shared>>)
    }
    %scan3A_15 = arith.constant 29 : i32
    %barrier3A_16 = arith.constant 0 : index
    tpu.barrier barrier_id(%barrier3A_16)
    %mul3A_17 = arith.constant 632 : i32
    %mul3A_18 = arith.muli %arg1, %mul3A_17 : i32
    %mul3A_19 = arith.constant 632 : i32
    %mul3A_20 = arith.muli %arg1, %mul3A_19 : i32
    "tpu.region"() ({
      %run_scoped3A = tpu.sem_alloc : memref<!tpu.dma_semaphore, #tpu.memory_space<semaphore_mem>>
      %dma_start3A = arith.constant 0 : i32
      %dma_start3A_21 = tpu.memref_slice %arg6[%arg0, %mul3A_20, %dma_start3A] : memref<2x10112x64xf32, #tpu.memory_space<hbm>> -> memref<1x632x64xf32, #tpu.memory_space<hbm>>
      %dma_start3A_22 = tpu.memref_squeeze %dma_start3A_21 : memref<1x632x64xf32, #tpu.memory_space<hbm>> -> memref<632x64xf32, #tpu.memory_space<hbm>>
      %dma_start3A_23 = arith.constant 0 : i32
      %dma_start3A_24 = tpu.memref_slice %arg12[%mul3A_18, %dma_start3A_23] : memref<10112x64xf32, #tpu.memory_space<vmem_shared>> -> memref<632x64xf32, #tpu.memory_space<vmem_shared>>
      tpu.enqueue_dma source(%dma_start3A_24 : memref<632x64xf32, #tpu.memory_space<vmem_shared>>) target(%dma_start3A_22 : memref<632x64xf32, #tpu.memory_space<hbm>>) target_semaphore(%run_scoped3A : memref<!tpu.dma_semaphore, #tpu.memory_space<semaphore_mem>>)
      %dma_wait3A = arith.constant 0 : i32
      %dma_wait3A_25 = tpu.memref_slice %arg6[%arg0, %mul3A_20, %dma_wait3A] : memref<2x10112x64xf32, #tpu.memory_space<hbm>> -> memref<1x632x64xf32, #tpu.memory_space<hbm>>
      %dma_wait3A_26 = tpu.memref_squeeze %dma_wait3A_25 : memref<1x632x64xf32, #tpu.memory_space<hbm>> -> memref<632x64xf32, #tpu.memory_space<hbm>>
      %dma_wait3A_27 = arith.constant 0 : i32
      %dma_wait3A_28 = tpu.memref_slice %arg12[%mul3A_18, %dma_wait3A_27] : memref<10112x64xf32, #tpu.memory_space<vmem_shared>> -> memref<632x64xf32, #tpu.memory_space<vmem_shared>>
      tpu.wait_dma2 semaphore(%run_scoped3A : memref<!tpu.dma_semaphore, #tpu.memory_space<semaphore_mem>>) src(%dma_wait3A_28 : memref<632x64xf32, #tpu.memory_space<vmem_shared>>) dst(%dma_wait3A_26 : memref<632x64xf32, #tpu.memory_space<hbm>>)
      tpu.yield
    }) : () -> ()
    return
  }
}

module attributes {stable_mosaic.version = 14 : i64} {
  func.func @_mm_body(%arg0: i32, %arg1: memref<400x10000xf32, #tpu.memory_space<vmem>>, %arg2: memref<10000x64xf32, #tpu.memory_space<vmem>>, %arg3: memref<400x64xf32, #tpu.memory_space<vmem>>) attributes {dimension_semantics = [#tpu.dimension_semantics<arbitrary>], iteration_bounds = array<i64: 25>, scalar_prefetch = 0 : i64, scratch_operands = 0 : i64, tpu.core_type = #tpu.core_type<tc>, window_params = [{transform_indices = @transform_0, window_bounds = array<i64: 400, 10000>}, {pipeline_mode = #tpu.pipeline_mode<synchronous>, transform_indices = @transform_1, window_bounds = array<i64: 10000, 64>}, {transform_indices = @transform_2, window_bounds = array<i64: 400, 64>}]} {
    %get3A = arith.constant 0 : index
    %get3A_0 = arith.constant 0 : index
    %get3A_1 = vector.load %arg1[%get3A, %get3A_0] : memref<400x10000xf32, #tpu.memory_space<vmem>>, vector<400x10000xf32>
    %get3A_2 = arith.constant 0 : index
    %get3A_3 = arith.constant 0 : index
    %get3A_4 = vector.load %arg2[%get3A_2, %get3A_3] : memref<10000x64xf32, #tpu.memory_space<vmem>>, vector<10000x64xf32>
    %dot_general3A = arith.constant dense<0.000000e+00> : vector<400x64xf32>
    %dot_general3A_5 = tpu.matmul %get3A_1, %get3A_4, %dot_general3A {dimension_numbers = #tpu.dot_dimension_numbers<[1], [0], [0], [1], [0, 0, 1, 1], [], []>, transpose_lhs_hint = false} : vector<400x10000xf32>, vector<10000x64xf32>, vector<400x64xf32> -> vector<400x64xf32>
    %swap3A = arith.constant 0 : index
    %swap3A_6 = arith.constant 0 : index
    %swap3A_7 = vector.load %arg3[%swap3A, %swap3A_6] : memref<400x64xf32, #tpu.memory_space<vmem>>, vector<400x64xf32>
    tpu.vector_store %arg3[%swap3A, %swap3A_6], %dot_general3A_5 {strides = array<i32>} : memref<400x64xf32, #tpu.memory_space<vmem>>, vector<400x64xf32>,
    return
  }
  func.func @transform_0(%arg0: i32) -> (i32, i32) {
    %c0_i32 = arith.constant 0 : i32
    %c0_i32_0 = arith.constant 0 : i32
    return %arg0, %c0_i32 : i32, i32
  }
  func.func @transform_1(%arg0: i32) -> (i32, i32) {
    %c0_i32 = arith.constant 0 : i32
    %c0_i32_0 = arith.constant 0 : i32
    %c0_i32_1 = arith.constant 0 : i32
    return %c0_i32, %c0_i32_0 : i32, i32
  }
  func.func @transform_2(%arg0: i32) -> (i32, i32) {
    %c0_i32 = arith.constant 0 : i32
    %c0_i32_0 = arith.constant 0 : i32
    return %arg0, %c0_i32 : i32, i32
  }
}

module attributes {stable_mosaic.version = 14 : i64} {
  func.func @_scale_body(%arg0: i32, %arg1: memref<400x64xf32, #tpu.memory_space<vmem>>, %arg2: memref<2x400x16xf32, #tpu.memory_space<vmem>>, %arg3: memref<400x64xf32, #tpu.memory_space<vmem>>, %arg4: memref<400x1xf32, #tpu.memory_space<vmem>>) attributes {dimension_semantics = [#tpu.dimension_semantics<arbitrary>], iteration_bounds = array<i64: 25>, scalar_prefetch = 0 : i64, scratch_operands = 0 : i64, tpu.core_type = #tpu.core_type<tc>, window_params = [{transform_indices = @transform_0, window_bounds = array<i64: 400, 64>}, {transform_indices = @transform_1, window_bounds = array<i64: 2, 400, 16>}, {transform_indices = @transform_2, window_bounds = array<i64: 400, 64>}, {transform_indices = @transform_3, window_bounds = array<i64: 400, 1>}]} {
    %get3A = arith.constant 0 : index
    %get3A_0 = arith.constant 0 : index
    %get3A_1 = arith.constant 0 : index
    %get3A_2 = vector.load %arg2[%get3A, %get3A_0, %get3A_1] : memref<2x400x16xf32, #tpu.memory_space<vmem>>, vector<1x400x16xf32>
    %get3A_3 = vector.shape_cast %get3A_2 : vector<1x400x16xf32> to vector<400x16xf32>
    %slice3A = vector.extract_strided_slice %get3A_3 {offsets = [0, 0], sizes = [400, 1], strides = [1, 1]} : vector<400x16xf32> to vector<400x1xf32>
    %get3A_4 = arith.constant 1 : index
    %get3A_5 = arith.constant 0 : index
    %get3A_6 = arith.constant 0 : index
    %get3A_7 = vector.load %arg2[%get3A_4, %get3A_5, %get3A_6] : memref<2x400x16xf32, #tpu.memory_space<vmem>>, vector<1x400x16xf32>
    %get3A_8 = vector.shape_cast %get3A_7 : vector<1x400x16xf32> to vector<400x16xf32>
    %slice3A_9 = vector.extract_strided_slice %get3A_8 {offsets = [0, 0], sizes = [400, 1], strides = [1, 1]} : vector<400x16xf32> to vector<400x1xf32>
    %add3A = arith.addf %slice3A, %slice3A_9 : vector<400x1xf32>
    %add3A_10 = arith.constant 1.000000e+00 : f32
    %add3A_11 = vector.broadcast %add3A_10 : f32 to vector<400x1xf32>
    %add3A_12 = arith.addf %add3A, %add3A_11 : vector<400x1xf32>
    %rsqrt3A = math.rsqrt %add3A_12 : vector<400x1xf32>
    %swap3A = arith.constant 0 : index
    %swap3A_13 = arith.constant 0 : index
    %swap3A_14 = vector.load %arg4[%swap3A, %swap3A_13] : memref<400x1xf32, #tpu.memory_space<vmem>>, vector<400x1xf32>
    tpu.vector_store %arg4[%swap3A, %swap3A_13], %rsqrt3A {strides = array<i32>} : memref<400x1xf32, #tpu.memory_space<vmem>>, vector<400x1xf32>,
    %get3A_15 = arith.constant 0 : index
    %get3A_16 = arith.constant 0 : index
    %get3A_17 = vector.load %arg1[%get3A_15, %get3A_16] : memref<400x64xf32, #tpu.memory_space<vmem>>, vector<400x64xf32>
    %mul3A = vector.broadcast %rsqrt3A : vector<400x1xf32> to vector<400x64xf32>
    %mul3A_18 = arith.mulf %get3A_17, %mul3A : vector<400x64xf32>
    %swap3A_19 = arith.constant 0 : index
    %swap3A_20 = arith.constant 0 : index
    %swap3A_21 = vector.load %arg3[%swap3A_19, %swap3A_20] : memref<400x64xf32, #tpu.memory_space<vmem>>, vector<400x64xf32>
    tpu.vector_store %arg3[%swap3A_19, %swap3A_20], %mul3A_18 {strides = array<i32>} : memref<400x64xf32, #tpu.memory_space<vmem>>, vector<400x64xf32>,
    return
  }
  func.func @transform_0(%arg0: i32) -> (i32, i32) {
    %c0_i32 = arith.constant 0 : i32
    %c0_i32_0 = arith.constant 0 : i32
    return %arg0, %c0_i32 : i32, i32
  }
  func.func @transform_1(%arg0: i32) -> (i32, i32, i32) {
    %c0_i32 = arith.constant 0 : i32
    %c0_i32_0 = arith.constant 0 : i32
    %c0_i32_1 = arith.constant 0 : i32
    return %c0_i32, %arg0, %c0_i32_0 : i32, i32, i32
  }
  func.func @transform_2(%arg0: i32) -> (i32, i32) {
    %c0_i32 = arith.constant 0 : i32
    %c0_i32_0 = arith.constant 0 : i32
    return %arg0, %c0_i32 : i32, i32
  }
  func.func @transform_3(%arg0: i32) -> (i32, i32) {
    %c0_i32 = arith.constant 0 : i32
    %c0_i32_0 = arith.constant 0 : i32
    return %arg0, %c0_i32 : i32, i32
  }
}

module attributes {stable_mosaic.version = 14 : i64} {
  func.func @_final_body(%arg0: i32, %arg1: memref<2x400x64xf32, #tpu.memory_space<vmem>>, %arg2: memref<400x64xf32, #tpu.memory_space<vmem>>, %arg3: memref<400x1xf32, #tpu.memory_space<vmem>>, %arg4: memref<1x64xf32, #tpu.memory_space<vmem>>, %arg5: memref<400x64xf32, #tpu.memory_space<vmem>>) attributes {dimension_semantics = [#tpu.dimension_semantics<arbitrary>], iteration_bounds = array<i64: 25>, scalar_prefetch = 0 : i64, scratch_operands = 0 : i64, tpu.core_type = #tpu.core_type<tc>, window_params = [{transform_indices = @transform_0, window_bounds = array<i64: 2, 400, 64>}, {transform_indices = @transform_1, window_bounds = array<i64: 400, 64>}, {transform_indices = @transform_2, window_bounds = array<i64: 400, 1>}, {pipeline_mode = #tpu.pipeline_mode<synchronous>, transform_indices = @transform_3, window_bounds = array<i64: 1, 64>}, {transform_indices = @transform_4, window_bounds = array<i64: 400, 64>}]} {
    %get3A = arith.constant 0 : index
    %get3A_0 = arith.constant 0 : index
    %get3A_1 = arith.constant 0 : index
    %get3A_2 = vector.load %arg1[%get3A, %get3A_0, %get3A_1] : memref<2x400x64xf32, #tpu.memory_space<vmem>>, vector<1x400x64xf32>
    %get3A_3 = vector.shape_cast %get3A_2 : vector<1x400x64xf32> to vector<400x64xf32>
    %get3A_4 = arith.constant 1 : index
    %get3A_5 = arith.constant 0 : index
    %get3A_6 = arith.constant 0 : index
    %get3A_7 = vector.load %arg1[%get3A_4, %get3A_5, %get3A_6] : memref<2x400x64xf32, #tpu.memory_space<vmem>>, vector<1x400x64xf32>
    %get3A_8 = vector.shape_cast %get3A_7 : vector<1x400x64xf32> to vector<400x64xf32>
    %add3A = arith.addf %get3A_3, %get3A_8 : vector<400x64xf32>
    %get3A_9 = arith.constant 0 : index
    %get3A_10 = arith.constant 0 : index
    %get3A_11 = vector.load %arg2[%get3A_9, %get3A_10] : memref<400x64xf32, #tpu.memory_space<vmem>>, vector<400x64xf32>
    %add3A_12 = arith.addf %add3A, %get3A_11 : vector<400x64xf32>
    %get3A_13 = arith.constant 0 : index
    %get3A_14 = arith.constant 0 : index
    %get3A_15 = vector.load %arg3[%get3A_13, %get3A_14] : memref<400x1xf32, #tpu.memory_space<vmem>>, vector<400x1xf32>
    %mul3A = vector.broadcast %get3A_15 : vector<400x1xf32> to vector<400x64xf32>
    %mul3A_16 = arith.mulf %add3A_12, %mul3A : vector<400x64xf32>
    %get3A_17 = arith.constant 0 : index
    %get3A_18 = arith.constant 0 : index
    %get3A_19 = vector.load %arg4[%get3A_17, %get3A_18] : memref<1x64xf32, #tpu.memory_space<vmem>>, vector<1x64xf32>
    %add3A_20 = vector.broadcast %get3A_19 : vector<1x64xf32> to vector<400x64xf32>
    %add3A_21 = arith.addf %mul3A_16, %add3A_20 : vector<400x64xf32>
    %swap3A = arith.constant 0 : index
    %swap3A_22 = arith.constant 0 : index
    %swap3A_23 = vector.load %arg5[%swap3A, %swap3A_22] : memref<400x64xf32, #tpu.memory_space<vmem>>, vector<400x64xf32>
    tpu.vector_store %arg5[%swap3A, %swap3A_22], %add3A_21 {strides = array<i32>} : memref<400x64xf32, #tpu.memory_space<vmem>>, vector<400x64xf32>,
    return
  }
  func.func @transform_0(%arg0: i32) -> (i32, i32, i32) {
    %c0_i32 = arith.constant 0 : i32
    %c0_i32_0 = arith.constant 0 : i32
    %c0_i32_1 = arith.constant 0 : i32
    return %c0_i32, %arg0, %c0_i32_0 : i32, i32, i32
  }
  func.func @transform_1(%arg0: i32) -> (i32, i32) {
    %c0_i32 = arith.constant 0 : i32
    %c0_i32_0 = arith.constant 0 : i32
    return %arg0, %c0_i32 : i32, i32
  }
  func.func @transform_2(%arg0: i32) -> (i32, i32) {
    %c0_i32 = arith.constant 0 : i32
    %c0_i32_0 = arith.constant 0 : i32
    return %arg0, %c0_i32 : i32, i32
  }
  func.func @transform_3(%arg0: i32) -> (i32, i32) {
    %c0_i32 = arith.constant 0 : i32
    %c0_i32_0 = arith.constant 0 : i32
    %c0_i32_1 = arith.constant 0 : i32
    return %c0_i32, %c0_i32_0 : i32, i32
  }
  func.func @transform_4(%arg0: i32) -> (i32, i32) {
    %c0_i32 = arith.constant 0 : i32
    %c0_i32_0 = arith.constant 0 : i32
    return %arg0, %c0_i32 : i32, i32
  }
}

</mosaic_0001>

<sc_bundles>
// kernel: kernel.10.cloned.1.call-start
scs
__scs_entry_jumppad:
0x0: {  	(pc) =	sbr.rel $0x88, $3  }
0x1: {  	(tag) =	ssettag $0x0;
	lr =	simm.s32 $0x1  }
0x2: {  	[smem:$0x3F9B] =	sst lr;
	_ =	strace $0xD0000000  }
0x3: {  	_ = 	snop  }
0x4: {  	_ = 	snop  }
0x5: {  	_ = 	snop  }
0x6: {  	_ = 	snop  }
0x7: {  	_ = 	snop  }
__scs_overlays_trampoline_lowered:
0x8: {  	[smem:$0x3FAA] =	sst s0  }
0x9: {  	[smem:$0x3FAB] =	sst s1  }
0xa: {  	[smem:$0x3FAC] =	sst s2  }
0xb: {  	[smem:$0x3FAD] =	sst s3  }
0xc: {  	[smem:$0x3FAE] =	sst s4  }
0xd: {  	[smem:$0x3FAF] =	sst s5  }
0xe: {  	[smem:$0x3FB0] =	sst s6  }
0xf: {  	[smem:$0x3FB1] =	sst s7  }
0x10: {  	[smem:$0x3FB2] =	sst s8  }
0x11: {  	[smem:$0x3FB3] =	sst s9;
	s0 =	simm.s32 @!p0 $0x0  }
0x12: {  	s1 =	sld [smem:$0x3F99];
	s0 =	simm.s32 @p0 $0x1  }
0x13: {  	[smem:$0x3FB4] =	sst s0;
	s0 =	simm.s32 @!p1 $0x0  }
0x14: {  	s2 =	sld [smem:$0x3F98];
	s0 =	simm.s32 @p1 $0x1  }
0x15: {  	[smem:$0x3FB5] =	sst s0;
	s0 =	simm.s32 @!p2 $0x0  }
0x16: {  	s3 =	sld [smem:$0x3FDB];
	s0 =	simm.s32 @p2 $0x1  }
0x17: {  	s4 =	simm.s32 $0x1BF5;
	[smem:$0x3FB7] =	sst s0  }
0x18: {  	s0 =	sld [smem:$0x3F9A];
	_ =	swait.ge [sflag:s4], $0x0  }
0x19: {  	s7 =	sld [smem:$0x3F9B]  }
0x1a: {  	s8 =	sadd.s32 $0xFFFFE003, lr  }
0x1b: {  	s9 =	sadd.s32 $0xFFFFFEF7, lr;
	s5 =	simm.s32 $0xFFFFFFFF;
	p2 =	slt.u32 s8, $0xFFFFF086  }
0x1c: {  	p1 =	slt.u32 s9, $0xF7A;
	s5 =	simm.s32 @!p2 $0x0  }
0x1d: {  	s5 =	simm.s32 @p1 $0x1;
	p0 =	seq.s32 s7, s2  }
0x1e: {  	s7 =	smul.u32 @!p0 $0xF7A, s2;
	p2 =	seq.s32 @!p0 s5, $0x0  }
0x1f: {  	s9 =	smul.u32 $0xF7A, s1;
	s8 =	simm.s32 @!p0 $0x1BF5;
	p2 =	por !p2, p0  }
0x20: {  	[sflag:s8] =	ssyncset.s32 @!p0 $0xFFFFF086;
	s6 =	sadd.s32 @!p0 s3, s7;
	s7 =	simm.s32 @!p0 $0x108  }
0x21: {  	s3 =	sadd.s32 s3, s9;
	s6 =	sadd.s32 @!p0 $0x88, s6;
	s7 =	simm.s32 @p2 $0x1082  }
0x22: {  	[simem:s7], [sflag:s8] =	dma.local @!p0 [hbm:s6], $0xF7A  }
0x23: {  	s9 =	sor.u32 $0xD0000000, s2;
	s6 =	simm.s32 $0x108;
	_ =	swait.ge @!p0 [sflag:s8], $0x0  }
0x24: {  	s3 =	sadd.s32 $0x88, s3;
	s6 =	simm.s32 @!p1 $0x1082;
	[sflag:s4] =	ssyncset.s32 $0xFFFFF086  }
0x25: {  	[simem:s6], [sflag:s4] =	dma.local [hbm:s3], $0xF7A  }
0x26: {  	[smem:$0x3F9B] =	sst s1;
	(tag) =	ssettag s2;
	_ =	strace s9  }
0x27: {  	s1 =	sld [smem:$0x3FAB]  }
0x28: {  	s2 =	sld [smem:$0x3FAC]  }
0x29: {  	s4 =	sld [smem:$0x3FAE]  }
0x2a: {  	p0 =	seq.s32 s5, $0x0;
	s5 =	sld [smem:$0x3FAF]  }
0x2b: {  	s6 =	sld [smem:$0x3FB0]  }
0x2c: {  	s7 =	sld [smem:$0x3FB1]  }
0x2d: {  	s3 =	simm.s32 $0x108;
	s8 =	sld [smem:$0x3FB2]  }
0x2e: {  	s3 =	simm.s32 @!p0 $0x1082;
	s9 =	sld [smem:$0x3FB3]  }
0x2f: {  	lr =	sadd.s32 s0, s3;
	s0 =	sld [smem:$0x3FAA]  }
0x30: {  	s3 =	sld [smem:$0x3FAD]  }
0x31: {  	[smem:$0x3FB6] =	sst s10  }
0x32: {  	s10 =	sld [smem:$0x3FB4];
	_ =	sdelay $0x3  }
0x33: {  	p0 =	seq.s32 s10, $0x1;
	s10 =	sld [smem:$0x3FB6];
	_ =	sdelay $0x3  }
0x34: {  	[smem:$0x3FB6] =	sst s10  }
0x35: {  	s10 =	sld [smem:$0x3FB5];
	_ =	sdelay $0x3  }
0x36: {  	p1 =	seq.s32 s10, $0x1;
	s10 =	sld [smem:$0x3FB6];
	_ =	sdelay $0x3  }
0x37: {  	[smem:$0x3FB6] =	sst s10  }
0x38: {  	s10 =	sld [smem:$0x3FB7]  }
0x39: {  	_ = 	snop;
	(pc) =	sbr.ind lr, $3  }
0x3a: {  	_ = 	snop  }
0x3b: {  	_ = 	snop  }
0x3c: {  	p2 =	seq.s32 s10, $0x1;
	s10 =	sld [smem:$0x3FB6]  }
0x3d: {  	_ =	shalt  }
0x3e: {  	_ =	shalt  }
0x3f: {  	_ =	shalt  }
0x40: {  	_ =	shalt  }
0x41: {  	_ =	shalt  }
0x42: {  	_ =	shalt  }
0x43: {  	_ =	shalt  }
0x44: {  	_ =	shalt  }
0x45: {  	_ =	shalt  }
0x46: {  	_ =	shalt  }
0x47: {  	_ =	shalt  }
0x48: {  	_ =	shalt  }
0x49: {  	_ =	shalt  }
0x4a: {  	_ =	shalt  }
0x4b: {  	_ =	shalt  }
0x4c: {  	_ =	shalt  }
0x4d: {  	_ =	shalt  }
0x4e: {  	_ =	shalt  }
0x4f: {  	_ =	shalt  }
0x50: {  	_ =	shalt  }
0x51: {  	_ =	shalt  }
0x52: {  	_ =	shalt  }
0x53: {  	_ =	shalt  }
0x54: {  	_ =	shalt  }
0x55: {  	_ =	shalt  }
0x56: {  	_ =	shalt  }
0x57: {  	_ =	shalt  }
0x58: {  	_ =	shalt  }
0x59: {  	_ =	shalt  }
0x5a: {  	_ =	shalt  }
0x5b: {  	_ =	shalt  }
0x5c: {  	_ =	shalt  }
0x5d: {  	_ =	shalt  }
0x5e: {  	_ =	shalt  }
0x5f: {  	_ =	shalt  }
0x60: {  	_ =	shalt  }
0x61: {  	_ =	shalt  }
0x62: {  	_ =	shalt  }
0x63: {  	_ =	shalt  }
0x64: {  	_ =	shalt  }
0x65: {  	_ =	shalt  }
0x66: {  	_ =	shalt  }
0x67: {  	_ =	shalt  }
0x68: {  	_ =	shalt  }
0x69: {  	_ =	shalt  }
0x6a: {  	_ =	shalt  }
0x6b: {  	_ =	shalt  }
0x6c: {  	_ =	shalt  }
0x6d: {  	_ =	shalt  }
0x6e: {  	_ =	shalt  }
0x6f: {  	_ =	shalt  }
0x70: {  	_ =	shalt  }
0x71: {  	_ =	shalt  }
0x72: {  	_ =	shalt  }
0x73: {  	_ =	shalt  }
0x74: {  	_ =	shalt  }
0x75: {  	_ =	shalt  }
0x76: {  	_ =	shalt  }
0x77: {  	_ =	shalt  }
0x78: {  	_ =	shalt  }
0x79: {  	_ =	shalt  }
0x7a: {  	_ =	shalt  }
0x7b: {  	_ =	shalt  }
0x7c: {  	_ =	shalt  }
0x7d: {  	_ =	shalt  }
0x7e: {  	_ =	shalt  }
0x7f: {  	_ =	shalt  }
0x80: {  	_ =	shalt  }
0x81: {  	_ =	shalt  }
0x82: {  	_ =	shalt  }
0x83: {  	_ =	shalt  }
0x84: {  	_ =	shalt  }
0x85: {  	_ =	shalt  }
0x86: {  	_ =	shalt  }
0x87: {  	_ =	shalt  }
.Lfunc_end0:
.L_simem_size_0:
called_computation.1_lowered:
.L_overlay_start_0:
0x88: {  	s2 =	sld [smem:$0x3FD9]  }
0x89: {  	s3 =	sld [smem:$0x3FFE];
	_ =	sdelay $0x1  }
0x8a: {  	s1 =	srdreg.scid  }
0x8b: {  	s0 =	sand.u32 $0x1, s1  }
0x8c: {  	s14 =	sshll.u32 s0, $0xA;
	s2 =	sadd.s32 s3, s2  }
0x8d: {  	s2 =	sadd.s32 s2, s14  }
0x8e: {  	[smem:$0x3FC2] =	sst s2  }
0x8f: {  	_ = 	snop  }
0x90: {  	s2 =	sld [smem:$0x3FD0];
	_ =	sdelay $0x2  }
0x91: {  	s15 =	simm.s32 $0xA;
	s4 =	simm.s32 $0x10  }
0x92: {  	[smem:s4], [sflag:s15] =	dma.local [hbm:s2], $0x1  }
0x93: {  	_ =	swait.eq [sflag:s15], $0x1  }
0x94: {  	[sflag:s15] =	ssyncset.done $0x0  }
0x95: {  	[sflag:s15] =	ssyncadd.s32 $0xFFFFFFFF  }
0x96: {  	s16 =	sld [smem:$0x11];
	(tm) =	ssettm $0x1  }
0x97: {  	s17 =	sld [smem:$0x3FFB];
	_ =	sdelay $0x3  }
0x98: {  	_ =	strace s17  }
0x99: {  	s3 =	sld [smem:$0x3FFC];
	_ =	sdelay $0x3  }
0x9a: {  	_ =	strace s3  }
0x9b: {  	s3 =	sld [smem:$0x3FFD];
	_ =	sdelay $0x3  }
0x9c: {  	_ =	strace s3  }
0x9d: {  	_ =	strace $0x8FFFFFFF  }
0x9e: {  	s18 =	sld [smem:$0x3FDB];
	_ =	sdelay $0x1  }
0x9f: {  	s19 =	simm.s32 $_scs_section_size  }
0xa0: {  	s5 =	simm.s32 $_size__tile_overlayer_lowered;
	s6 =	simm.s32 $_tile_overlayer_lowered  }
0xa1: {  	s22 =	simm.s32 $0x1BFF;
	s21 =	sshll.u32 s6, $0x1;
	s3 =	sadd.s32 s19, s18  }
0xa2: {  	s7 =	simm.s32 $0x0;
	s20 =	sshll.u32 s5, $0x1;
	s5 =	sadd.s32 s21, s3  }
0xa3: {  	[timem:s7], [sflag:s22] =	dma.local [hbm:s5], s20  }
0xa4: {  	_ =	swait.ge [sflag:s22], s20  }
0xa5: {  	s4 =	ssub.s32 $0x0, s20;
	[sflag:s22] =	ssyncset.done $0x0  }
0xa6: {  	[sflag:s22] =	ssyncadd.s32 s4;
	_ =	sdelay $0x1  }
0xa7: {  	s23 =	simm.s32 $0x1B8B  }
0xa8: {  	_ =	swait.ge [sflag:s23], $0x1  }
0xa9: {  	[sflag:s23] =	ssyncset.done $0x0  }
0xaa: {  	s25 =	simm.s32 $0x1B8E;
	s24 =	sld [smem:$0x3FFE];
	[sflag:s23] =	ssyncadd.s32 $0xFFFFFFFF  }
0xab: {  	s26 =	simm.s32 $execute0_lowered;
	[smem:$0x3FD2] =	sst s25  }
0xac: {  	s5 =	sshll.u32 s26, $0x1;
	_ =	strace $0x80000049;
	[dreg:$0x1] =	wrdreg $0xFFFFFFFF  }
0xad: {  	s28 =	simm.s32 $_size_execute0_lowered;
	s3 =	sadd.s32 s3, s5;
	[dreg:$0x0] =	wrdreg $0x0  }
0xae: {  	s5 =	sshll.u32 s28, $0x1;
	[dreg:$0x2] =	wrdreg s3  }
0xaf: {  	[dreg:$0x3] =	wrdreg s5  }
0xb0: {  	[dreg:$0x4] =	wrdreg $0xC0  }
0xb1: {  	_ =	task [dreg:s7], $0x5FFFF  }
0xb2: {  	[dreg:$0x1] =	wrdreg $0xFFFFFFFF  }
0xb3: {  	[dreg:$0x0] =	wrdreg $0x60  }
0xb4: {  	[dreg:$0x2] =	wrdreg s24  }
0xb5: {  	[dreg:$0x3] =	wrdreg s16  }
0xb6: {  	[dreg:$0x4] =	wrdreg $0xB5800  }
0xb7: {  	[dreg:$0x5] =	wrdreg $0x153800  }
0xb8: {  	[dreg:$0x6] =	wrdreg $0x9  }
0xb9: {  	_ =	task.clear_ibuf [dreg:s7], $0x7FFFF;
	_ =	strace $0x90000049  }
0xba: {  	s29 =	simm.s32 $0x9;
	_ =	strace $0x8000004B  }
0xbb: {  	_ =	swait.ge [sflag:s29], $0x1  }
0xbc: {  	[sflag:s29] =	ssyncadd.s32 $0xFFFFFFFF  }
0xbd: {  	_ =	strace $0x9000004B  }
0xbe: {  	_ =	sfence  }
0xbf: {  	s30 =	sld [smem:$0x0];
	_ =	sdelay $0x2  }
0xc0: {  	s31 =	sshll.u32 s1, $0xD;
	s1 =	sshrl.u32 s1, $0x2  }
0xc1: {  	s3 =	sand.u32 $0x4000, s31;
	s1 =	sadd.s32 s1, s30  }
0xc2: {  	s0 =	sor.u32 s3, s0;
	s1 =	sshll.u32 s1, $0x11  }
0xc3: {  	s0 =	sor.u32 s1, s0  }
0xc4: {  	s0 =	sadd.s32 $0x8F2B, s0  }
0xc5: {  	[sflag:s0] =	ssyncadd.remote.s32 $0x1  }
0xc6: {  	_ =	sfence.sel $0xFFFF  }
0xc7: {  	[dreg:$0x0] =	wrdreg $0xFFFFFFFF;
	(pc) =	sbr.abs _section_cstart, $3  }
0xc8: {  	[dreg:$0x1] =	wrdreg $0xFFFFFFFF  }
0xc9: {  	_ =	task.clear_ibuf [dreg:s7], $0x2FFFF;
	_ =	strace $0x9FFFFFFF  }
0xca: {  	(tm) =	ssettm $0x7FFFFFFF  }
0xcb: {  	_ =	shalt  }
tec
execute0_lowered:
.L_overlay_start_1:
0x0: {  	(tag) =	ssettag $0x1  }
0x1: {  	s7 =	rddreg [dreg:$0x0]  }
0x2: {  	s0 =	rddreg [dreg:$0x1]  }
0x3: {  	s12 =	stileid.u32;
	s2 =	rddreg [dreg:$0x2]  }
0x4: {  	s1 =	srdreg.scid;
	s3 =	rddreg [dreg:$0x3]  }
0x5: {  	s4 =	simm.s32 $0x0;
	s17 =	simm.s32 $0x580;
	s18 =	simm.s32 $0x1  }
0x6: {  	s19 =	simm.s32 $0x2;
	s20 =	simm.s32 $0x0;
	s6 =	smul.u32 $0x9C00, s12  }
0x7: {  	s5 =	sand.u32 $0x1, s1;
	s9 =	smul.u32 $0x4FC0, s12;
	s1 =	rddreg [dreg:$0x4]  }
0x8: {  	s10 =	smul.u32 $0x9E00, s12;
	[smem:$0x7FF] =	sst s4;
	s14 =	sshll.u32 s12, $0x6  }
0x9: {  	s16 =	sadd.s32 $0x9C000, s3;
	p0 =	sne.s32 s12, $0x0;
	s8 =	smul.u32 $0x4FC00, s5  }
0xa: {  	s11 =	smul.u32 $0x9E000, s5;
	_ =	strace $0x8000004A;
	s5 =	ssub.s32 $0x2, s5  }
0xb: {  	s13 =	sshrl.u32 s6, $0x3;
	s30 =	sshrl.u32 s5, $0x1;
	s15 =	sadd.s32 s10, s2  }
0xc: {  	s31 =	sadd.s32 s6, s3;
	s8 =	sadd.s32 s9, s8;
	s26 =	sadd.s32 s13, s7  }
0xd: {  	s11 =	sadd.s32 s10, s11;
	s12 =	sshrl.u32 s15, $0x3;
	s13 =	simm.s32 $0x3  }
0xe: {  	s15 =	sshrl.u32 @!p0 s16, $0x3;
	s16 =	simm.s32 $0x2C0;
	s8 =	sshrl.u32 s8, $0x3  }
0xf: {  	s29 =	sshrl.u32 s11, $0x3;
	s11 =	ssub.s32 s5, s30;
	s5 =	sor.u32 $0x1C03, s14  }
0x10: {  	s6 =	sadd.s32 $0x29C00, s26;
	s14 =	sshrl.u32 s31, $0x3;
	s28 =	sadd.s32 s8, s7  }
0x11: {  	s8 =	sadd.s32 s29, s7;
	s7 =	sadd.s32 $0x3D400, s7;
	s9 =	smax.u32 s11, $0x1  }
0x12: {  	s8 =	sadd.s32 $0x3D600, s8;
	s10 =	sadd.s32 $0x1600, s28;
	s11 =	sadd.s32 $0x15C00, s28  }
.LBB2_1:
0x13: {  	[spmem:s12], [sflag:s5] =	dma.local [hbm:s0], $0x13C0  }
0x14: {  	_ =	swait.ge [sflag:s13], $0x13C0  }
0x15: {  	[sflag:s13] =	ssyncset.done $0x0  }
0x16: {  	[sflag:s13] =	ssyncadd.s32 $0xFFFFEC40  }
0x17: {  	[spmem:s14], [sflag:s5] =	dma.local [hbm:s6], $0x1380  }
0x18: {  	_ =	swait.ge [sflag:s13], $0x1380  }
0x19: {  	[sflag:s13] =	ssyncset.done $0x0  }
0x1a: {  	s21 =	simm.s32 @!p0 $0x3;
	[sflag:s13] =	ssyncadd.s32 $0xFFFFEC80  }
0x1b: {  	[spmem:s15], [sflag:s5] =	dma.local @!p0 [hbm:s7], $0x80  }
0x1c: {  	_ =	swait.ge @!p0 [sflag:s21], $0x80  }
0x1d: {  	[sflag:s21] =	ssyncset.done @!p0 $0x0  }
0x1e: {  	[sflag:s21] =	ssyncadd.s32 @!p0 $0xFFFFFF80  }
0x1f: {  	s30 =	sadd.s32 $0x0, s11;
	[bflag:$0x0] =	sbarrier.arrive $0xFFFF  }
0x20: {  	[tilespmem:s4], [sflag:$0x3] =	stream.linear.gather [hbm4b:s30+s4], $0x2C0, $0x38;
	[tilespmem:$0x1EFC0] =	vst v63  }
0x21: {  	_ =	swait.ge [sflag:s13], $0x2C0  }
0x22: {  	[sflag:s13] =	ssyncset.done $0x0  }
0x23: {  	s31 =	sadd.s32 $0x0, s10;
	[sflag:s13] =	ssyncadd.s32 $0xFFFFFD40  }
0x24: {  	[tilespmem:s16], [sflag:$0x3] =	stream.linear.gather [hbm4b:s31+s4], $0x2C0, $0x38;
	[tilespmem:$0x1EFC0] =	vst v63  }
0x25: {  	_ =	swait.ge [sflag:s13], $0x2C0  }
0x26: {  	[sflag:s13] =	ssyncset.done $0x0  }
0x27: {  	[sflag:s13] =	ssyncadd.s32 $0xFFFFFD40  }
0x28: {  	[tilespmem:s17], [sflag:$0x1] =	stream.indirect.gather [spmem:s3], $0x40, s4, s16, $0xb8;
	[tilespmem:$0x1EFC0] =	vst v63  }
0x29: {  	_ =	swait.ge [sflag:s18], $0xB000  }
0x2a: {  	[sflag:s18] =	ssyncset.done $0x0  }
0x2b: {  	[sflag:s18] =	ssyncadd.s32 $0xFFFF5000  }
0x2c: {  	[spmem:s2] =	stream.indirect.scatter.add.f32 [tilespmem:s17], [sflag:$0x2], $0x40, s16, s16, $0xb8;
	[tilespmem:$0x1EFC0] =	vst v63  }
0x2d: {  	_ =	swait.ge [sflag:s19], $0xB000  }
0x2e: {  	s22 =	simm.s32 $0xB0;
	s21 =	simm.s32 $0x58;
	[sflag:s19] =	ssyncset.done $0x0  }
.LBB2_2:
0x2f: {  	s23 =	sadd.s32 s21, s11  }
0x30: {  	[sflag:s19] =	ssyncadd.s32 $0xFFFF5000;
	s24 =	smov.u32 s22;
	s25 =	sadd.s32 $0x58, s22  }
0x31: {  	[tilespmem:s4], [sflag:$0x3] =	stream.linear.gather [hbm4b:s23+s4], $0x2C0, $0x38;
	[tilespmem:$0x1EFC0] =	vst v63  }
0x32: {  	p1 =	sne.s32 s22, $0x9A0;
	_ =	swait.ge [sflag:s13], $0x2C0  }
0x33: {  	[sflag:s13] =	ssyncset.done $0x0  }
0x34: {  	s22 =	sadd.s32 s21, s10;
	s21 =	smov.u32 s24;
	[sflag:s13] =	ssyncadd.s32 $0xFFFFFD40  }
0x35: {  	[tilespmem:s16], [sflag:$0x3] =	stream.linear.gather [hbm4b:s22+s4], $0x2C0, $0x38;
	[tilespmem:$0x1EFC0] =	vst v63  }
0x36: {  	_ =	swait.ge [sflag:s13], $0x2C0  }
0x37: {  	[sflag:s13] =	ssyncset.done $0x0  }
0x38: {  	[sflag:s13] =	ssyncadd.s32 $0xFFFFFD40  }
0x39: {  	[tilespmem:s17], [sflag:$0x1] =	stream.indirect.gather [spmem:s3], $0x40, s4, s16, $0xb8;
	[tilespmem:$0x1EFC0] =	vst v63  }
0x3a: {  	_ =	swait.ge [sflag:s18], $0xB000  }
.Ltmp0:
0x3b: {  	[sflag:s18] =	ssyncset.done $0x0;
	(pc) =	sbr.rel @p1 .LBB2_2-.Ltmp0, $4  }
0x3c: {  	[sflag:s18] =	ssyncadd.s32 $0xFFFF5000  }
0x3d: {  	[spmem:s2] =	stream.indirect.scatter.add.f32 [tilespmem:s17], [sflag:$0x2], $0x40, s16, s16, $0xb8;
	[tilespmem:$0x1EFC0] =	vst v63  }
0x3e: {  	_ =	swait.ge [sflag:s19], $0xB000  }
0x3f: {  	s22 =	smov.u32 s25;
	[sflag:s19] =	ssyncset.done $0x0  }
0x40: {  	s22 =	sadd.s32 s21, s11;
	[sflag:s19] =	ssyncadd.s32 $0xFFFF5000  }
0x41: {  	[tilespmem:s4], [sflag:$0x3] =	stream.linear.gather [hbm4b:s22+s4], $0x2C0, $0x38;
	[tilespmem:$0x1EFC0] =	vst v63  }
0x42: {  	_ =	swait.ge [sflag:s13], $0x2C0  }
0x43: {  	[sflag:s13] =	ssyncset.done $0x0  }
0x44: {  	s31 =	sadd.s32 s21, s10;
	[sflag:s13] =	ssyncadd.s32 $0xFFFFFD40  }
0x45: {  	[tilespmem:s16], [sflag:$0x3] =	stream.linear.gather [hbm4b:s31+s4], $0x2C0, $0x38;
	[tilespmem:$0x1EFC0] =	vst v63  }
0x46: {  	_ =	swait.ge [sflag:s13], $0x2C0  }
0x47: {  	[sflag:s13] =	ssyncset.done $0x0  }
0x48: {  	[sflag:s13] =	ssyncadd.s32 $0xFFFFFD40  }
0x49: {  	[tilespmem:s17], [sflag:$0x1] =	stream.indirect.gather [spmem:s3], $0x40, s4, s16, $0xb8;
	[tilespmem:$0x1EFC0] =	vst v63  }
0x4a: {  	_ =	swait.ge [sflag:s18], $0xB000  }
0x4b: {  	[sflag:s18] =	ssyncset.done $0x0  }
0x4c: {  	[sflag:s18] =	ssyncadd.s32 $0xFFFF5000  }
0x4d: {  	[spmem:s2] =	stream.indirect.scatter.add.f32 [tilespmem:s17], [sflag:$0x2], $0x40, s16, s16, $0xb8;
	[tilespmem:$0x1EFC0] =	vst v63  }
0x4e: {  	_ =	swait.ge [sflag:s19], $0xB000  }
0x4f: {  	s20 =	sadd.s32 $0x1, s20;
	[sflag:s19] =	ssyncset.done $0x0  }
0x50: {  	p1 =	sne.s32 s20, s9;
	[sflag:s19] =	ssyncadd.s32 $0xFFFF5000  }
.Ltmp1:
0x51: {  	[bflag:$0x0] =	sbarrier.arrive $0xFFFF;
	(pc) =	sbr.rel @p1 .LBB2_1-.Ltmp1, $4  }
0x52: {  	[hbm:s8], [sflag:s5] =	dma.local [spmem:s12], $0x13C0  }
0x53: {  	_ =	swait.ge [sflag:s13], $0x13C0  }
0x54: {  	[sflag:s13] =	ssyncset.done $0x0  }
0x55: {  	[sflag:s13] =	ssyncadd.s32 $0xFFFFEC40  }
0x56: {  	_ =	sfence.sel $0x180000  }
0x57: {  	[bflag:$0x0] =	sbarrier.arrive $0xFFFF  }
0x58: {  	_ =	strace $0x9000004A  }
0x59: {  	s0 =	sadd.s32 @!p0 $0x100000, s1;
	[bflag:$0x2] =	sbarrier.arrive $0xFFFF  }
0x5a: {  	[sflag:s0] =	ssyncadd.tile.s32 @!p0 $0x1;
	_ =	shalt  }
.Lfunc_end2:
_tile_overlayer_lowered:
.L_overlay_start_2:
0x5b: {  	(tag) =	ssettag $0x2  }
0x5c: {  	s0 =	rddreg [dreg:$0x0];
	s2 =	stileid.u32  }
0x5d: {  	s1 =	rddreg [dreg:$0x1];
	p0 =	sne.s32 s2, $0x0  }
0x5e: {  	s3 =	rddreg [dreg:$0x2];
	[bflag:$0x3] =	sbarrier.arrive $0xFFFF;
	s2 =	simm.s32 @!p0 $0x1C03  }
0x5f: {  	[timem:s3], [sflag:s2] =	dma.local @!p0 [hbm:s0], s1  }
0x60: {  	s0 =	simm.s32 @!p0 $0x3  }
0x61: {  	_ =	swait.ge @!p0 [sflag:s0], s1  }
0x62: {  	s1 =	ssub.s32 @!p0 $0x0, s1;
	[sflag:s0] =	ssyncset.done @!p0 $0x0  }
0x63: {  	[sflag:s0] =	ssyncadd.s32 @!p0 s1  }
0x64: {  	[bflag:$0x3] =	sbarrier.arrive $0xFFFF  }
0x65: {  	_ =	shalt  }

// kernel: kernel.7.cloned.1.call-start
scs
__scs_entry_jumppad:
0x0: {  	(pc) =	sbr.rel $0x88, $3  }
0x1: {  	(tag) =	ssettag $0x0;
	lr =	simm.s32 $0x1  }
0x2: {  	[smem:$0x3F9B] =	sst lr;
	_ =	strace $0xD0000000  }
0x3: {  	_ = 	snop  }
0x4: {  	_ = 	snop  }
0x5: {  	_ = 	snop  }
0x6: {  	_ = 	snop  }
0x7: {  	_ = 	snop  }
__scs_overlays_trampoline_lowered:
0x8: {  	[smem:$0x3FAA] =	sst s0  }
0x9: {  	[smem:$0x3FAB] =	sst s1  }
0xa: {  	[smem:$0x3FAC] =	sst s2  }
0xb: {  	[smem:$0x3FAD] =	sst s3  }
0xc: {  	[smem:$0x3FAE] =	sst s4  }
0xd: {  	[smem:$0x3FAF] =	sst s5  }
0xe: {  	[smem:$0x3FB0] =	sst s6  }
0xf: {  	[smem:$0x3FB1] =	sst s7  }
0x10: {  	[smem:$0x3FB2] =	sst s8  }
0x11: {  	[smem:$0x3FB3] =	sst s9;
	s0 =	simm.s32 @!p0 $0x0  }
0x12: {  	s1 =	sld [smem:$0x3F99];
	s0 =	simm.s32 @p0 $0x1  }
0x13: {  	[smem:$0x3FB4] =	sst s0;
	s0 =	simm.s32 @!p1 $0x0  }
0x14: {  	s2 =	sld [smem:$0x3F98];
	s0 =	simm.s32 @p1 $0x1  }
0x15: {  	[smem:$0x3FB5] =	sst s0;
	s0 =	simm.s32 @!p2 $0x0  }
0x16: {  	s3 =	sld [smem:$0x3FDB];
	s0 =	simm.s32 @p2 $0x1  }
0x17: {  	s4 =	simm.s32 $0x1BF5;
	[smem:$0x3FB7] =	sst s0  }
0x18: {  	s0 =	sld [smem:$0x3F9A];
	_ =	swait.ge [sflag:s4], $0x0  }
0x19: {  	s7 =	sld [smem:$0x3F9B]  }
0x1a: {  	s8 =	sadd.s32 $0xFFFFE003, lr  }
0x1b: {  	s9 =	sadd.s32 $0xFFFFFEF7, lr;
	s5 =	simm.s32 $0xFFFFFFFF;
	p2 =	slt.u32 s8, $0xFFFFF086  }
0x1c: {  	p1 =	slt.u32 s9, $0xF7A;
	s5 =	simm.s32 @!p2 $0x0  }
0x1d: {  	s5 =	simm.s32 @p1 $0x1;
	p0 =	seq.s32 s7, s2  }
0x1e: {  	s7 =	smul.u32 @!p0 $0xF7A, s2;
	p2 =	seq.s32 @!p0 s5, $0x0  }
0x1f: {  	s9 =	smul.u32 $0xF7A, s1;
	s8 =	simm.s32 @!p0 $0x1BF5;
	p2 =	por !p2, p0  }
0x20: {  	[sflag:s8] =	ssyncset.s32 @!p0 $0xFFFFF086;
	s6 =	sadd.s32 @!p0 s3, s7;
	s7 =	simm.s32 @!p0 $0x108  }
0x21: {  	s3 =	sadd.s32 s3, s9;
	s6 =	sadd.s32 @!p0 $0x88, s6;
	s7 =	simm.s32 @p2 $0x1082  }
0x22: {  	[simem:s7], [sflag:s8] =	dma.local @!p0 [hbm:s6], $0xF7A  }
0x23: {  	s9 =	sor.u32 $0xD0000000, s2;
	s6 =	simm.s32 $0x108;
	_ =	swait.ge @!p0 [sflag:s8], $0x0  }
0x24: {  	s3 =	sadd.s32 $0x88, s3;
	s6 =	simm.s32 @!p1 $0x1082;
	[sflag:s4] =	ssyncset.s32 $0xFFFFF086  }
0x25: {  	[simem:s6], [sflag:s4] =	dma.local [hbm:s3], $0xF7A  }
0x26: {  	[smem:$0x3F9B] =	sst s1;
	(tag) =	ssettag s2;
	_ =	strace s9  }
0x27: {  	s1 =	sld [smem:$0x3FAB]  }
0x28: {  	s2 =	sld [smem:$0x3FAC]  }
0x29: {  	s4 =	sld [smem:$0x3FAE]  }
0x2a: {  	p0 =	seq.s32 s5, $0x0;
	s5 =	sld [smem:$0x3FAF]  }
0x2b: {  	s6 =	sld [smem:$0x3FB0]  }
0x2c: {  	s7 =	sld [smem:$0x3FB1]  }
0x2d: {  	s3 =	simm.s32 $0x108;
	s8 =	sld [smem:$0x3FB2]  }
0x2e: {  	s3 =	simm.s32 @!p0 $0x1082;
	s9 =	sld [smem:$0x3FB3]  }
0x2f: {  	lr =	sadd.s32 s0, s3;
	s0 =	sld [smem:$0x3FAA]  }
0x30: {  	s3 =	sld [smem:$0x3FAD]  }
0x31: {  	[smem:$0x3FB6] =	sst s10  }
0x32: {  	s10 =	sld [smem:$0x3FB4];
	_ =	sdelay $0x3  }
0x33: {  	p0 =	seq.s32 s10, $0x1;
	s10 =	sld [smem:$0x3FB6];
	_ =	sdelay $0x3  }
0x34: {  	[smem:$0x3FB6] =	sst s10  }
0x35: {  	s10 =	sld [smem:$0x3FB5];
	_ =	sdelay $0x3  }
0x36: {  	p1 =	seq.s32 s10, $0x1;
	s10 =	sld [smem:$0x3FB6];
	_ =	sdelay $0x3  }
0x37: {  	[smem:$0x3FB6] =	sst s10  }
0x38: {  	s10 =	sld [smem:$0x3FB7]  }
0x39: {  	_ = 	snop;
	(pc) =	sbr.ind lr, $3  }
0x3a: {  	_ = 	snop  }
0x3b: {  	_ = 	snop  }
0x3c: {  	p2 =	seq.s32 s10, $0x1;
	s10 =	sld [smem:$0x3FB6]  }
0x3d: {  	_ =	shalt  }
0x3e: {  	_ =	shalt  }
0x3f: {  	_ =	shalt  }
0x40: {  	_ =	shalt  }
0x41: {  	_ =	shalt  }
0x42: {  	_ =	shalt  }
0x43: {  	_ =	shalt  }
0x44: {  	_ =	shalt  }
0x45: {  	_ =	shalt  }
0x46: {  	_ =	shalt  }
0x47: {  	_ =	shalt  }
0x48: {  	_ =	shalt  }
0x49: {  	_ =	shalt  }
0x4a: {  	_ =	shalt  }
0x4b: {  	_ =	shalt  }
0x4c: {  	_ =	shalt  }
0x4d: {  	_ =	shalt  }
0x4e: {  	_ =	shalt  }
0x4f: {  	_ =	shalt  }
0x50: {  	_ =	shalt  }
0x51: {  	_ =	shalt  }
0x52: {  	_ =	shalt  }
0x53: {  	_ =	shalt  }
0x54: {  	_ =	shalt  }
0x55: {  	_ =	shalt  }
0x56: {  	_ =	shalt  }
0x57: {  	_ =	shalt  }
0x58: {  	_ =	shalt  }
0x59: {  	_ =	shalt  }
0x5a: {  	_ =	shalt  }
0x5b: {  	_ =	shalt  }
0x5c: {  	_ =	shalt  }
0x5d: {  	_ =	shalt  }
0x5e: {  	_ =	shalt  }
0x5f: {  	_ =	shalt  }
0x60: {  	_ =	shalt  }
0x61: {  	_ =	shalt  }
0x62: {  	_ =	shalt  }
0x63: {  	_ =	shalt  }
0x64: {  	_ =	shalt  }
0x65: {  	_ =	shalt  }
0x66: {  	_ =	shalt  }
0x67: {  	_ =	shalt  }
0x68: {  	_ =	shalt  }
0x69: {  	_ =	shalt  }
0x6a: {  	_ =	shalt  }
0x6b: {  	_ =	shalt  }
0x6c: {  	_ =	shalt  }
0x6d: {  	_ =	shalt  }
0x6e: {  	_ =	shalt  }
0x6f: {  	_ =	shalt  }
0x70: {  	_ =	shalt  }
0x71: {  	_ =	shalt  }
0x72: {  	_ =	shalt  }
0x73: {  	_ =	shalt  }
0x74: {  	_ =	shalt  }
0x75: {  	_ =	shalt  }
0x76: {  	_ =	shalt  }
0x77: {  	_ =	shalt  }
0x78: {  	_ =	shalt  }
0x79: {  	_ =	shalt  }
0x7a: {  	_ =	shalt  }
0x7b: {  	_ =	shalt  }
0x7c: {  	_ =	shalt  }
0x7d: {  	_ =	shalt  }
0x7e: {  	_ =	shalt  }
0x7f: {  	_ =	shalt  }
0x80: {  	_ =	shalt  }
0x81: {  	_ =	shalt  }
0x82: {  	_ =	shalt  }
0x83: {  	_ =	shalt  }
0x84: {  	_ =	shalt  }
0x85: {  	_ =	shalt  }
0x86: {  	_ =	shalt  }
0x87: {  	_ =	shalt  }
.Lfunc_end0:
.L_simem_size_0:
called_computation_lowered:
.L_overlay_start_0:
0x88: {  	s2 =	sld [smem:$0x3FD9]  }
0x89: {  	s3 =	sld [smem:$0x3FFE];
	_ =	sdelay $0x1  }
0x8a: {  	s1 =	srdreg.scid  }
0x8b: {  	s0 =	sand.u32 $0x1, s1  }
0x8c: {  	s14 =	sshll.u32 s0, $0xA;
	s2 =	sadd.s32 s3, s2  }
0x8d: {  	s2 =	sadd.s32 s2, s14  }
0x8e: {  	[smem:$0x3FC2] =	sst s2  }
0x8f: {  	_ = 	snop  }
0x90: {  	s2 =	sld [smem:$0x3FD0];
	_ =	sdelay $0x2  }
0x91: {  	s15 =	simm.s32 $0xA;
	s4 =	simm.s32 $0x10  }
0x92: {  	[smem:s4], [sflag:s15] =	dma.local [hbm:s2], $0x1  }
0x93: {  	_ =	swait.eq [sflag:s15], $0x1  }
0x94: {  	[sflag:s15] =	ssyncset.done $0x0  }
0x95: {  	s16 =	sld [smem:$0x10];
	[sflag:s15] =	ssyncadd.s32 $0xFFFFFFFF  }
0x96: {  	s17 =	sld [smem:$0x11];
	(tm) =	ssettm $0x1  }
0x97: {  	s18 =	sld [smem:$0x3FFB];
	_ =	sdelay $0x3  }
0x98: {  	_ =	strace s18  }
0x99: {  	s4 =	sld [smem:$0x3FFC];
	_ =	sdelay $0x3  }
0x9a: {  	_ =	strace s4  }
0x9b: {  	s4 =	sld [smem:$0x3FFD];
	_ =	sdelay $0x3  }
0x9c: {  	_ =	strace s4  }
0x9d: {  	_ =	strace $0x8FFFFFFF  }
0x9e: {  	s19 =	sld [smem:$0x3FDB];
	_ =	sdelay $0x1  }
0x9f: {  	s5 =	simm.s32 $_scs_section_size  }
0xa0: {  	s6 =	simm.s32 $_size__tile_overlayer_lowered;
	s7 =	simm.s32 $_tile_overlayer_lowered  }
0xa1: {  	s22 =	simm.s32 $0x1BFF;
	s21 =	sshll.u32 s7, $0x1;
	s4 =	sadd.s32 s5, s19  }
0xa2: {  	s8 =	simm.s32 $0x0;
	s20 =	sshll.u32 s6, $0x1;
	s6 =	sadd.s32 s21, s4  }
0xa3: {  	[timem:s8], [sflag:s22] =	dma.local [hbm:s6], s20  }
0xa4: {  	_ =	swait.ge [sflag:s22], s20  }
0xa5: {  	s5 =	ssub.s32 $0x0, s20;
	[sflag:s22] =	ssyncset.done $0x0  }
0xa6: {  	[sflag:s22] =	ssyncadd.s32 s5;
	_ =	sdelay $0x1  }
0xa7: {  	s23 =	simm.s32 $0x1B8B  }
0xa8: {  	_ =	swait.ge [sflag:s23], $0x1  }
0xa9: {  	[sflag:s23] =	ssyncset.done $0x0  }
0xaa: {  	s25 =	simm.s32 $0x1B8E;
	s24 =	sld [smem:$0x3FFE];
	[sflag:s23] =	ssyncadd.s32 $0xFFFFFFFF  }
0xab: {  	s26 =	simm.s32 $execute0_lowered;
	[smem:$0x3FD2] =	sst s25  }
0xac: {  	s6 =	sshll.u32 s26, $0x1;
	_ =	strace $0x80000046;
	[dreg:$0x1] =	wrdreg $0xFFFFFFFF  }
0xad: {  	s28 =	simm.s32 $_size_execute0_lowered;
	s4 =	sadd.s32 s4, s6;
	[dreg:$0x0] =	wrdreg $0x0  }
0xae: {  	s6 =	sshll.u32 s28, $0x1;
	[dreg:$0x2] =	wrdreg s4  }
0xaf: {  	[dreg:$0x3] =	wrdreg s6  }
0xb0: {  	[dreg:$0x4] =	wrdreg $0xC0  }
0xb1: {  	_ =	task [dreg:s8], $0x5FFFF  }
0xb2: {  	[dreg:$0x1] =	wrdreg $0xFFFFFFFF  }
0xb3: {  	[dreg:$0x0] =	wrdreg $0x60  }
0xb4: {  	[dreg:$0x2] =	wrdreg s24  }
0xb5: {  	[dreg:$0x3] =	wrdreg s16  }
0xb6: {  	[dreg:$0x4] =	wrdreg s17  }
0xb7: {  	[dreg:$0x5] =	wrdreg $0x2EC00  }
0xb8: {  	[dreg:$0x6] =	wrdreg $0x9  }
0xb9: {  	_ =	task.clear_ibuf [dreg:s8], $0x7FFFF;
	_ =	strace $0x90000046  }
0xba: {  	s29 =	simm.s32 $0x9;
	_ =	strace $0x80000048  }
0xbb: {  	_ =	swait.ge [sflag:s29], $0x1  }
0xbc: {  	[sflag:s29] =	ssyncadd.s32 $0xFFFFFFFF  }
0xbd: {  	_ =	strace $0x90000048  }
0xbe: {  	_ =	sfence  }
0xbf: {  	s30 =	sld [smem:$0x0];
	_ =	sdelay $0x2  }
0xc0: {  	s31 =	sshll.u32 s1, $0xD;
	s1 =	sshrl.u32 s1, $0x2  }
0xc1: {  	s3 =	sand.u32 $0x4000, s31;
	s1 =	sadd.s32 s1, s30  }
0xc2: {  	s0 =	sor.u32 s3, s0;
	s1 =	sshll.u32 s1, $0x11  }
0xc3: {  	s0 =	sor.u32 s1, s0  }
0xc4: {  	s0 =	sadd.s32 $0x8F2B, s0  }
0xc5: {  	[sflag:s0] =	ssyncadd.remote.s32 $0x1  }
0xc6: {  	_ =	sfence.sel $0xFFFF  }
0xc7: {  	[dreg:$0x0] =	wrdreg $0xFFFFFFFF;
	(pc) =	sbr.abs _section_cstart, $3  }
0xc8: {  	[dreg:$0x1] =	wrdreg $0xFFFFFFFF  }
0xc9: {  	_ =	task.clear_ibuf [dreg:s8], $0x2FFFF;
	_ =	strace $0x9FFFFFFF  }
0xca: {  	(tm) =	ssettm $0x7FFFFFFF  }
0xcb: {  	_ =	shalt  }
tec
execute0_lowered:
.L_overlay_start_1:
0x0: {  	(tag) =	ssettag $0x1  }
0x1: {  	s5 =	rddreg [dreg:$0x0]  }
0x2: {  	s0 =	rddreg [dreg:$0x1]  }
0x3: {  	s7 =	rddreg [dreg:$0x2];
	s1 =	srdreg.scid  }
0x4: {  	s3 =	rddreg [dreg:$0x3];
	s2 =	stileid.u32  }
0x5: {  	s4 =	simm.s32 $0x0;
	s14 =	simm.s32 $0x1;
	s9 =	smul.u32 $0x4FC0, s2  }
0x6: {  	s6 =	sand.u32 $0x1, s1;
	s1 =	rddreg [dreg:$0x4];
	s28 =	smul.u32 $0x2780, s2  }
0x7: {  	s15 =	simm.s32 $0x0;
	[smem:$0x7FF] =	sst s4;
	s8 =	smul.u32 $0x4FC00, s6  }
0x8: {  	s30 =	sshll.u32 s2, $0x6;
	s10 =	ssub.s32 $0x2, s6;
	s6 =	smul.u32 $0x27800, s6  }
0x9: {  	_ =	strace $0x80000047;
	s29 =	sshrl.u32 s10, $0x1;
	s13 =	sadd.s32 s28, s3  }
0xa: {  	s8 =	sadd.s32 s9, s8;
	s12 =	sadd.s32 s28, s6;
	s6 =	sor.u32 $0x1C02, s30  }
0xb: {  	s8 =	sshrl.u32 s8, $0x3;
	s31 =	sshrl.u32 s12, $0x3;
	s12 =	simm.s32 $0x2C00  }
0xc: {  	s11 =	sadd.s32 s8, s5;
	s5 =	sadd.s32 $0x15600, s5;
	s8 =	ssub.s32 s10, s29  }
0xd: {  	s7 =	sadd.s32 s7, s31;
	s10 =	sshrl.u32 s13, $0x3;
	s13 =	simm.s32 $0x2C0  }
0xe: {  	s8 =	smax.u32 s8, $0x1;
	s9 =	sadd.s32 $0x1600, s11;
	s11 =	simm.s32 $0x2  }
.LBB2_1:
0xf: {  	[spmem:s10], [sflag:s6] =	dma.local [hbm:s5], $0x4F0  }
0x10: {  	_ =	swait.ge [sflag:s11], $0x4F0  }
0x11: {  	[sflag:s11] =	ssyncset.done $0x0  }
0x12: {  	[sflag:s11] =	ssyncadd.s32 $0xFFFFFB10  }
0x13: {  	[tilespmem:s4], [sflag:$0x2] =	stream.linear.gather [hbm4b:s0+s4], $0x2C00, $0x38;
	[tilespmem:$0x5640] =	vst v63  }
0x14: {  	_ =	swait.ge [sflag:s11], $0x2C00  }
0x15: {  	[sflag:s11] =	ssyncset.done $0x0  }
0x16: {  	[sflag:s11] =	ssyncadd.s32 $0xFFFFD400  }
0x17: {  	s16 =	sadd.s32 $0x0, s9;
	[bflag:$0x0] =	sbarrier.arrive $0xFFFF  }
0x18: {  	[tilespmem:s12], [sflag:$0x2] =	stream.linear.gather [hbm4b:s16+s4], $0x2C0, $0x38;
	[tilespmem:$0x5640] =	vst v63  }
0x19: {  	_ =	swait.ge [sflag:s11], $0x2C0  }
0x1a: {  	[sflag:s11] =	ssyncset.done $0x0  }
0x1b: {  	[sflag:s11] =	ssyncadd.s32 $0xFFFFFD40  }
0x1c: {  	[spmem:s3] =	stream.indirect.scatter.add.f32 [tilespmem:s4], [sflag:$0x1], $0x10, s12, s13, $0xb8;
	[tilespmem:$0x5640] =	vst v63  }
0x1d: {  	_ =	swait.ge [sflag:s14], $0x2C00  }
0x1e: {  	s17 =	simm.s32 $0xB0;
	s16 =	simm.s32 $0x58;
	[sflag:s14] =	ssyncset.done $0x0  }
.LBB2_2:
0x1f: {  	s18 =	sadd.s32 s16, s9  }
0x20: {  	[sflag:s14] =	ssyncadd.s32 $0xFFFFD400;
	s16 =	smov.u32 s17;
	s19 =	sadd.s32 $0x58, s17  }
0x21: {  	[tilespmem:s12], [sflag:$0x2] =	stream.linear.gather [hbm4b:s18+s4], $0x2C0, $0x38;
	[tilespmem:$0x5640] =	vst v63  }
0x22: {  	p0 =	sne.s32 s17, $0x9A0;
	_ =	swait.ge [sflag:s11], $0x2C0  }
.Ltmp0:
0x23: {  	[sflag:s11] =	ssyncset.done $0x0;
	(pc) =	sbr.rel @p0 .LBB2_2-.Ltmp0, $4  }
0x24: {  	[sflag:s11] =	ssyncadd.s32 $0xFFFFFD40  }
0x25: {  	[spmem:s3] =	stream.indirect.scatter.add.f32 [tilespmem:s4], [sflag:$0x1], $0x10, s12, s13, $0xb8;
	[tilespmem:$0x5640] =	vst v63  }
0x26: {  	_ =	swait.ge [sflag:s14], $0x2C00  }
0x27: {  	s17 =	smov.u32 s19;
	[sflag:s14] =	ssyncset.done $0x0  }
0x28: {  	s16 =	sadd.s32 s16, s9;
	[sflag:s14] =	ssyncadd.s32 $0xFFFFD400  }
0x29: {  	[tilespmem:s12], [sflag:$0x2] =	stream.linear.gather [hbm4b:s16+s4], $0x2C0, $0x38;
	[tilespmem:$0x5640] =	vst v63  }
0x2a: {  	_ =	swait.ge [sflag:s11], $0x2C0  }
0x2b: {  	[sflag:s11] =	ssyncset.done $0x0  }
0x2c: {  	[sflag:s11] =	ssyncadd.s32 $0xFFFFFD40  }
0x2d: {  	[spmem:s3] =	stream.indirect.scatter.add.f32 [tilespmem:s4], [sflag:$0x1], $0x10, s12, s13, $0xb8;
	[tilespmem:$0x5640] =	vst v63  }
0x2e: {  	_ =	swait.ge [sflag:s14], $0x2C00  }
0x2f: {  	s15 =	sadd.s32 $0x1, s15;
	[sflag:s14] =	ssyncset.done $0x0  }
0x30: {  	p0 =	sne.s32 s15, s8;
	[sflag:s14] =	ssyncadd.s32 $0xFFFFD400  }
.Ltmp1:
0x31: {  	[bflag:$0x0] =	sbarrier.arrive $0xFFFF;
	(pc) =	sbr.rel @p0 .LBB2_1-.Ltmp1, $4  }
0x32: {  	[hbm:s7], [sflag:s6] =	dma.local [spmem:s10], $0x4F0  }
0x33: {  	_ =	swait.ge [sflag:s11], $0x4F0  }
0x34: {  	[sflag:s11] =	ssyncset.done $0x0  }
0x35: {  	[sflag:s11] =	ssyncadd.s32 $0xFFFFFB10  }
0x36: {  	_ =	sfence.sel $0x180000  }
0x37: {  	[bflag:$0x0] =	sbarrier.arrive $0xFFFF  }
0x38: {  	p0 =	sne.s32 s2, $0x0;
	_ =	strace $0x90000047  }
0x39: {  	s0 =	sadd.s32 @!p0 $0x100000, s1;
	[bflag:$0x2] =	sbarrier.arrive $0xFFFF  }
0x3a: {  	[sflag:s0] =	ssyncadd.tile.s32 @!p0 $0x1;
	_ =	shalt  }
.Lfunc_end2:
_tile_overlayer_lowered:
.L_overlay_start_2:
0x3b: {  	(tag) =	ssettag $0x2  }
0x3c: {  	s0 =	rddreg [dreg:$0x0];
	s2 =	stileid.u32  }
0x3d: {  	s1 =	rddreg [dreg:$0x1];
	p0 =	sne.s32 s2, $0x0  }
0x3e: {  	s3 =	rddreg [dreg:$0x2];
	[bflag:$0x3] =	sbarrier.arrive $0xFFFF;
	s2 =	simm.s32 @!p0 $0x1C02  }
0x3f: {  	[timem:s3], [sflag:s2] =	dma.local @!p0 [hbm:s0], s1  }
0x40: {  	s0 =	simm.s32 @!p0 $0x2  }
0x41: {  	_ =	swait.ge @!p0 [sflag:s0], s1  }
0x42: {  	s1 =	ssub.s32 @!p0 $0x0, s1;
	[sflag:s0] =	ssyncset.done @!p0 $0x0  }
0x43: {  	[sflag:s0] =	ssyncadd.s32 @!p0 s1  }
0x44: {  	[bflag:$0x3] =	sbarrier.arrive $0xFFFF  }
0x45: {  	_ =	shalt  }

</sc_bundles>
